<compile_context>
chip_gen: v7x
topology: tpu7x:2x2x1
jax: 0.10.2.dev20260603
libtpu: 0.0.44.dev20260713+nightly
codegen_flags: <defaults>
</compile_context>

<pallas_src>
import functools

import jax
import jax.numpy as jnp
import numpy as np
from jax.experimental import pallas as pl
from jax.experimental.pallas import tpu as pltpu

LANES = 128


def _roll(v, shift, axis):
    return pltpu.roll(v, shift % v.shape[axis], axis)


def _flip(w, m):
    return jax.lax.bitcast_convert_type(
        jax.lax.bitcast_convert_type(w, jnp.int32) ^ m, jnp.float32)


def _lane_roll_mxu(w, pmat):
    b, o, i, l = w.shape
    w2 = w.reshape(b * o * i, l)
    r = jax.lax.dot_general(w2, pmat, (((1,), (0,)), ((), ())),
                            preferred_element_type=jnp.float32)
    return r.reshape(b, o, i, l)


def _cmp_exchange_asc(w, j, pm_ref):
    outer, inner = w.shape[1], w.shape[2]
    grps = outer * inner
    if j < outer:
        axis, sh = 1, j
        it = jax.lax.broadcasted_iota(jnp.int32, (1, outer, 1, 1), 1)
    elif j < grps:
        axis, sh = 2, j // outer
        it = jax.lax.broadcasted_iota(jnp.int32, (1, 1, inner, 1), 2)
    else:
        axis, sh = 3, j // grps
        it = jax.lax.broadcasted_iota(jnp.int32, (1, 1, 1, LANES), 3)
    left = (it & sh) == 0
    b = _roll(w, -sh, axis)
    mn = jnp.minimum(w, b)
    mx = jnp.maximum(w, b)
    mxr = _roll(mx, sh, axis)
    return jnp.where(left, mn, mxr)


def _flip_masks(grps):
    n = grps * LANES
    log_n = n.bit_length() - 1
    inner = min(grps, 8)
    outer = grps // inner
    li = np.arange(LANES, dtype=np.int64)[None, None, :]
    ii = np.arange(inner, dtype=np.int64)[None, :, None]
    oi = np.arange(outer, dtype=np.int64)[:, None, None]
    idxn = oi + outer * ii + grps * li
    neg = np.int32(-2 ** 31)

    def smask(k):
        return np.where((idxn & k) != 0, neg, np.int32(0)).astype(np.int32)

    out = [smask(2)]
    for stage in range(1, log_n):
        k = 1 << stage
        out.append(smask(k) ^ smask(2 * k))
    return np.stack(out)


def _perm_mats(grps, n):
    n_steps = (n // grps).bit_length() - 1
    eye = np.eye(LANES, dtype=np.float32)
    mats = []
    for s in range(n_steps):
        jl = 1 << s
        mats.append(np.roll(eye, -jl, axis=1))
        mats.append(np.roll(eye, jl, axis=1))
    return np.stack(mats)


def _bitonic_sort(v, fm_ref, pm_ref):
    grps = v.shape[1] * v.shape[2]
    n = grps * LANES
    log_n = n.bit_length() - 1
    w = _flip(v, fm_ref[0][None])
    for stage in range(1, log_n + 1):
        k = 1 << stage
        j = k >> 1
        while j >= 1:
            w = _cmp_exchange_asc(w, j, pm_ref)
            j >>= 1
        if k < n:
            w = _flip(w, fm_ref[stage][None])
    return w


def _loss_kernel(x_ref, y_ref, fm_ref, pm_ref, out_ref, *, r_block, total, ch):
    def body(r, acc):
        xs = x_ref[pl.ds(r * ch, ch)]
        ys = y_ref[pl.ds(r * ch, ch)]
        v = jnp.concatenate([xs, ys], axis=0)
        v = _bitonic_sort(v, fm_ref, pm_ref)
        d = v[:ch] - v[ch:]
        return acc + jnp.sum(d * d)

    acc = jax.lax.fori_loop(0, r_block // ch, body, jnp.float32(0.0))
    out_ref[0, 0, 0] = acc / total


@jax.jit
def kernel(x, y):
    rows, n = x.shape
    grps = n // LANES
    r_block = 128
    ch = 16
    log_n = n.bit_length() - 1
    inner = min(grps, 8)
    outer = grps // inner
    x3 = x.reshape(rows, outer, inner, LANES)
    y3 = y.reshape(rows, outer, inner, LANES)
    fm = jnp.asarray(_flip_masks(grps))
    pm = jnp.asarray(_perm_mats(grps, n))
    pm_shape = pm.shape
    out = pl.pallas_call(
        functools.partial(_loss_kernel, r_block=r_block, total=rows * n,
                          ch=ch),
        grid=(rows // r_block,),
        in_specs=[
            pl.BlockSpec((r_block, outer, inner, LANES),
                         lambda i: (i, 0, 0, 0)),
            pl.BlockSpec((r_block, outer, inner, LANES),
                         lambda i: (i, 0, 0, 0)),
            pl.BlockSpec((log_n, outer, inner, LANES),
                         lambda i: (0, 0, 0, 0)),
            pl.BlockSpec(pm_shape, lambda i: (0, 0, 0)),
        ],
        out_specs=pl.BlockSpec((1, 1, 1), lambda i: (i, 0, 0),
                               memory_space=pltpu.SMEM),
        out_shape=jax.ShapeDtypeStruct((rows // r_block, 1, 1), jnp.float32),
        compiler_params=pltpu.CompilerParams(
            dimension_semantics=("parallel",)),
    )(x3, y3, fm, pm)
    return jnp.sum(out[:, 0, 0])

# --- scband reference (transcript-rebuilt; emitter-appended) ---
"""Pipeline reference for scband-naive-exact-loss-56530359550569 (READ-ONLY COPY).

The authoritative reference and input builder live on the scoring server;
editing this copy changes nothing except your own understanding.
"""

import jax, jax.numpy as jnp
import numpy as np


def setup_inputs(seed: int = 0) -> dict:
    key = jax.random.key(seed)
    k1, k2 = jax.random.split(key)
    x = jax.random.normal(k1, (4096, 8192), dtype=jnp.float32)
    y = jax.random.normal(k2, (4096, 8192), dtype=jnp.float32)
    return {"x": x, "y": y}


def reference(x, y):
    pred_sorted = jnp.sort(x, axis=-1)
    target_sorted = jnp.sort(y, axis=-1)
    return jnp.mean((pred_sorted - target_sorted) ** 2)

if __name__ == "__main__":
    import jax
    _d = setup_inputs()
    print(jax.jit(kernel)(*tuple(_d.values())))

</pallas_src>

<mosaic_0001>
module attributes {stable_mosaic.version = 14 : i64} {
  func.func @_loss_kernel(%arg0: i32, %arg1: memref<128x8x8x128xf32, #tpu.memory_space<vmem>>, %arg2: memref<128x8x8x128xf32, #tpu.memory_space<vmem>>, %arg3: memref<13x8x8x128xi32, #tpu.memory_space<vmem>>, %arg4: memref<14x128x128xf32, #tpu.memory_space<vmem>>, %arg5: memref<1x1x1xf32, #tpu.memory_space<smem>>) attributes {dimension_semantics = [#tpu.dimension_semantics<parallel>], iteration_bounds = array<i64: 32>, scalar_prefetch = 0 : i64, scratch_operands = 0 : i64, tpu.core_type = #tpu.core_type<tc>, window_params = [{transform_indices = @transform_0, window_bounds = array<i64: 128, 8, 8, 128>}, {transform_indices = @transform_1, window_bounds = array<i64: 128, 8, 8, 128>}, {pipeline_mode = #tpu.pipeline_mode<synchronous>, transform_indices = @transform_2, window_bounds = array<i64: 13, 8, 8, 128>}, {pipeline_mode = #tpu.pipeline_mode<synchronous>, transform_indices = @transform_3, window_bounds = array<i64: 14, 128, 128>}, {transform_indices = @transform_4, window_bounds = array<i64: 1, 1, 1>}]} {
    %scan3A = arith.constant 0.000000e+00 : f32
    %scan3A_0 = arith.constant 0 : i32
    %scan3A_1 = arith.constant 8 : i32
    %scan3A_2 = arith.addi %scan3A_0, %scan3A_1 : i32
    %scan3A_3 = arith.constant 1 : i32
    %scan3A_4 = scf.for %scan3A_10 = %scan3A_0 to %scan3A_2 step %scan3A_3 iter_args(%scan3A_11 = %scan3A) -> (f32)  : i32 {
      %mul3A = arith.constant 16 : i32
      %mul3A_12 = arith.muli %scan3A_10, %mul3A : i32
      %get3A = arith.index_cast %mul3A_12 : i32 to index
      %get3A_13 = arith.constant 0 : index
      %get3A_14 = arith.constant 0 : index
      %get3A_15 = arith.constant 0 : index
      %get3A_16 = vector.load %arg1[%get3A, %get3A_13, %get3A_14, %get3A_15] : memref<128x8x8x128xf32, #tpu.memory_space<vmem>>, vector<16x8x8x128xf32>
      %mul3A_17 = arith.constant 16 : i32
      %mul3A_18 = arith.muli %scan3A_10, %mul3A_17 : i32
      %get3A_19 = arith.index_cast %mul3A_18 : i32 to index
      %get3A_20 = arith.constant 0 : index
      %get3A_21 = arith.constant 0 : index
      %get3A_22 = arith.constant 0 : index
      %get3A_23 = vector.load %arg2[%get3A_19, %get3A_20, %get3A_21, %get3A_22] : memref<128x8x8x128xf32, #tpu.memory_space<vmem>>, vector<16x8x8x128xf32>
      %concatenate3A = tpu.concatenate %get3A_16, %get3A_23 in 0 : vector<16x8x8x128xf32>, vector<16x8x8x128xf32> -> vector<32x8x8x128xf32>
      %get3A_24 = arith.constant 0 : index
      %get3A_25 = arith.constant 0 : index
      %get3A_26 = arith.constant 0 : index
      %get3A_27 = arith.constant 0 : index
      %get3A_28 = vector.load %arg3[%get3A_24, %get3A_25, %get3A_26, %get3A_27] : memref<13x8x8x128xi32, #tpu.memory_space<vmem>>, vector<1x8x8x128xi32>
      %get3A_29 = vector.shape_cast %get3A_28 : vector<1x8x8x128xi32> to vector<8x8x128xi32>
      %broadcast_in_dim3A = vector.shape_cast %get3A_29 : vector<8x8x128xi32> to vector<1x8x8x128xi32>
      %bitcast_convert_type3A = tpu.bitcast %concatenate3A : vector<32x8x8x128xf32> -> vector<32x8x8x128xi32>
      %xor3A = vector.broadcast %broadcast_in_dim3A : vector<1x8x8x128xi32> to vector<32x8x8x128xi32>
      %xor3A_30 = arith.xori %bitcast_convert_type3A, %xor3A : vector<32x8x8x128xi32>
      %bitcast_convert_type3A_31 = tpu.bitcast %xor3A_30 : vector<32x8x8x128xi32> -> vector<32x8x8x128xf32>
      %iota3A = tpu.iota {dimensions = array<i32: 1>} : vector<1x8x1x1xi32>
      %and3A = arith.constant 1 : i32
      %and3A_32 = vector.broadcast %and3A : i32 to vector<1x8x1x1xi32>
      %and3A_33 = arith.andi %iota3A, %and3A_32 : vector<1x8x1x1xi32>
      %eq3A = arith.constant 0 : i32
      %eq3A_34 = vector.broadcast %eq3A : i32 to vector<1x8x1x1xi32>
      %eq3A_35 = arith.cmpi eq, %and3A_33, %eq3A_34 : vector<1x8x1x1xi32>
      %roll3A = arith.constant 7 : i32
      %roll3A_36 = tpu.dynamic_rotate %bitcast_convert_type3A_31 by %roll3A dim 1 : vector<32x8x8x128xf32>, i32 -> vector<32x8x8x128xf32>
      %min3A = arith.minimumf %bitcast_convert_type3A_31, %roll3A_36 : vector<32x8x8x128xf32>
      %max3A = arith.maximumf %bitcast_convert_type3A_31, %roll3A_36 : vector<32x8x8x128xf32>
      %roll3A_37 = arith.constant 1 : i32
      %roll3A_38 = tpu.dynamic_rotate %max3A by %roll3A_37 dim 1 : vector<32x8x8x128xf32>, i32 -> vector<32x8x8x128xf32>
      %broadcast_in_dim3A_39 = vector.shape_cast %eq3A_35 : vector<1x8x1x1xi1> to vector<1x8x1x1xi1>
      %broadcast_in_dim3A_40 = vector.broadcast %broadcast_in_dim3A_39 : vector<1x8x1x1xi1> to vector<32x8x8x128xi1>
      %select_n3A = arith.select %broadcast_in_dim3A_40, %min3A, %roll3A_38 : vector<32x8x8x128xi1>, vector<32x8x8x128xf32>
      %get3A_41 = arith.constant 1 : index
      %get3A_42 = arith.constant 0 : index
      %get3A_43 = arith.constant 0 : index
      %get3A_44 = arith.constant 0 : index
      %get3A_45 = vector.load %arg3[%get3A_41, %get3A_42, %get3A_43, %get3A_44] : memref<13x8x8x128xi32, #tpu.memory_space<vmem>>, vector<1x8x8x128xi32>
      %get3A_46 = vector.shape_cast %get3A_45 : vector<1x8x8x128xi32> to vector<8x8x128xi32>
      %broadcast_in_dim3A_47 = vector.shape_cast %get3A_46 : vector<8x8x128xi32> to vector<1x8x8x128xi32>
      %bitcast_convert_type3A_48 = tpu.bitcast %select_n3A : vector<32x8x8x128xf32> -> vector<32x8x8x128xi32>
      %xor3A_49 = vector.broadcast %broadcast_in_dim3A_47 : vector<1x8x8x128xi32> to vector<32x8x8x128xi32>
      %xor3A_50 = arith.xori %bitcast_convert_type3A_48, %xor3A_49 : vector<32x8x8x128xi32>
      %bitcast_convert_type3A_51 = tpu.bitcast %xor3A_50 : vector<32x8x8x128xi32> -> vector<32x8x8x128xf32>
      %iota3A_52 = tpu.iota {dimensions = array<i32: 1>} : vector<1x8x1x1xi32>
      %and3A_53 = arith.constant 2 : i32
      %and3A_54 = vector.broadcast %and3A_53 : i32 to vector<1x8x1x1xi32>
      %and3A_55 = arith.andi %iota3A_52, %and3A_54 : vector<1x8x1x1xi32>
      %eq3A_56 = arith.constant 0 : i32
      %eq3A_57 = vector.broadcast %eq3A_56 : i32 to vector<1x8x1x1xi32>
      %eq3A_58 = arith.cmpi eq, %and3A_55, %eq3A_57 : vector<1x8x1x1xi32>
      %roll3A_59 = arith.constant 6 : i32
      %roll3A_60 = tpu.dynamic_rotate %bitcast_convert_type3A_51 by %roll3A_59 dim 1 : vector<32x8x8x128xf32>, i32 -> vector<32x8x8x128xf32>
      %min3A_61 = arith.minimumf %bitcast_convert_type3A_51, %roll3A_60 : vector<32x8x8x128xf32>
      %max3A_62 = arith.maximumf %bitcast_convert_type3A_51, %roll3A_60 : vector<32x8x8x128xf32>
      %roll3A_63 = arith.constant 2 : i32
      %roll3A_64 = tpu.dynamic_rotate %max3A_62 by %roll3A_63 dim 1 : vector<32x8x8x128xf32>, i32 -> vector<32x8x8x128xf32>
      %broadcast_in_dim3A_65 = vector.shape_cast %eq3A_58 : vector<1x8x1x1xi1> to vector<1x8x1x1xi1>
      %broadcast_in_dim3A_66 = vector.broadcast %broadcast_in_dim3A_65 : vector<1x8x1x1xi1> to vector<32x8x8x128xi1>
      %select_n3A_67 = arith.select %broadcast_in_dim3A_66, %min3A_61, %roll3A_64 : vector<32x8x8x128xi1>, vector<32x8x8x128xf32>
      %iota3A_68 = tpu.iota {dimensions = array<i32: 1>} : vector<1x8x1x1xi32>
      %and3A_69 = arith.constant 1 : i32
      %and3A_70 = vector.broadcast %and3A_69 : i32 to vector<1x8x1x1xi32>
      %and3A_71 = arith.andi %iota3A_68, %and3A_70 : vector<1x8x1x1xi32>
      %eq3A_72 = arith.constant 0 : i32
      %eq3A_73 = vector.broadcast %eq3A_72 : i32 to vector<1x8x1x1xi32>
      %eq3A_74 = arith.cmpi eq, %and3A_71, %eq3A_73 : vector<1x8x1x1xi32>
      %roll3A_75 = arith.constant 7 : i32
      %roll3A_76 = tpu.dynamic_rotate %select_n3A_67 by %roll3A_75 dim 1 : vector<32x8x8x128xf32>, i32 -> vector<32x8x8x128xf32>
      %min3A_77 = arith.minimumf %select_n3A_67, %roll3A_76 : vector<32x8x8x128xf32>
      %max3A_78 = arith.maximumf %select_n3A_67, %roll3A_76 : vector<32x8x8x128xf32>
      %roll3A_79 = arith.constant 1 : i32
      %roll3A_80 = tpu.dynamic_rotate %max3A_78 by %roll3A_79 dim 1 : vector<32x8x8x128xf32>, i32 -> vector<32x8x8x128xf32>
      %broadcast_in_dim3A_81 = vector.shape_cast %eq3A_74 : vector<1x8x1x1xi1> to vector<1x8x1x1xi1>
      %broadcast_in_dim3A_82 = vector.broadcast %broadcast_in_dim3A_81 : vector<1x8x1x1xi1> to vector<32x8x8x128xi1>
      %select_n3A_83 = arith.select %broadcast_in_dim3A_82, %min3A_77, %roll3A_80 : vector<32x8x8x128xi1>, vector<32x8x8x128xf32>
      %get3A_84 = arith.constant 2 : index
      %get3A_85 = arith.constant 0 : index
      %get3A_86 = arith.constant 0 : index
      %get3A_87 = arith.constant 0 : index
      %get3A_88 = vector.load %arg3[%get3A_84, %get3A_85, %get3A_86, %get3A_87] : memref<13x8x8x128xi32, #tpu.memory_space<vmem>>, vector<1x8x8x128xi32>
      %get3A_89 = vector.shape_cast %get3A_88 : vector<1x8x8x128xi32> to vector<8x8x128xi32>
      %broadcast_in_dim3A_90 = vector.shape_cast %get3A_89 : vector<8x8x128xi32> to vector<1x8x8x128xi32>
      %bitcast_convert_type3A_91 = tpu.bitcast %select_n3A_83 : vector<32x8x8x128xf32> -> vector<32x8x8x128xi32>
      %xor3A_92 = vector.broadcast %broadcast_in_dim3A_90 : vector<1x8x8x128xi32> to vector<32x8x8x128xi32>
      %xor3A_93 = arith.xori %bitcast_convert_type3A_91, %xor3A_92 : vector<32x8x8x128xi32>
      %bitcast_convert_type3A_94 = tpu.bitcast %xor3A_93 : vector<32x8x8x128xi32> -> vector<32x8x8x128xf32>
      %iota3A_95 = tpu.iota {dimensions = array<i32: 1>} : vector<1x8x1x1xi32>
      %and3A_96 = arith.constant 4 : i32
      %and3A_97 = vector.broadcast %and3A_96 : i32 to vector<1x8x1x1xi32>
      %and3A_98 = arith.andi %iota3A_95, %and3A_97 : vector<1x8x1x1xi32>
      %eq3A_99 = arith.constant 0 : i32
      %eq3A_100 = vector.broadcast %eq3A_99 : i32 to vector<1x8x1x1xi32>
      %eq3A_101 = arith.cmpi eq, %and3A_98, %eq3A_100 : vector<1x8x1x1xi32>
      %roll3A_102 = arith.constant 4 : i32
      %roll3A_103 = tpu.dynamic_rotate %bitcast_convert_type3A_94 by %roll3A_102 dim 1 : vector<32x8x8x128xf32>, i32 -> vector<32x8x8x128xf32>
      %min3A_104 = arith.minimumf %bitcast_convert_type3A_94, %roll3A_103 : vector<32x8x8x128xf32>
      %max3A_105 = arith.maximumf %bitcast_convert_type3A_94, %roll3A_103 : vector<32x8x8x128xf32>
      %roll3A_106 = arith.constant 4 : i32
      %roll3A_107 = tpu.dynamic_rotate %max3A_105 by %roll3A_106 dim 1 : vector<32x8x8x128xf32>, i32 -> vector<32x8x8x128xf32>
      %broadcast_in_dim3A_108 = vector.shape_cast %eq3A_101 : vector<1x8x1x1xi1> to vector<1x8x1x1xi1>
      %broadcast_in_dim3A_109 = vector.broadcast %broadcast_in_dim3A_108 : vector<1x8x1x1xi1> to vector<32x8x8x128xi1>
      %select_n3A_110 = arith.select %broadcast_in_dim3A_109, %min3A_104, %roll3A_107 : vector<32x8x8x128xi1>, vector<32x8x8x128xf32>
      %iota3A_111 = tpu.iota {dimensions = array<i32: 1>} : vector<1x8x1x1xi32>
      %and3A_112 = arith.constant 2 : i32
      %and3A_113 = vector.broadcast %and3A_112 : i32 to vector<1x8x1x1xi32>
      %and3A_114 = arith.andi %iota3A_111, %and3A_113 : vector<1x8x1x1xi32>
      %eq3A_115 = arith.constant 0 : i32
      %eq3A_116 = vector.broadcast %eq3A_115 : i32 to vector<1x8x1x1xi32>
      %eq3A_117 = arith.cmpi eq, %and3A_114, %eq3A_116 : vector<1x8x1x1xi32>
      %roll3A_118 = arith.constant 6 : i32
      %roll3A_119 = tpu.dynamic_rotate %select_n3A_110 by %roll3A_118 dim 1 : vector<32x8x8x128xf32>, i32 -> vector<32x8x8x128xf32>
      %min3A_120 = arith.minimumf %select_n3A_110, %roll3A_119 : vector<32x8x8x128xf32>
      %max3A_121 = arith.maximumf %select_n3A_110, %roll3A_119 : vector<32x8x8x128xf32>
      %roll3A_122 = arith.constant 2 : i32
      %roll3A_123 = tpu.dynamic_rotate %max3A_121 by %roll3A_122 dim 1 : vector<32x8x8x128xf32>, i32 -> vector<32x8x8x128xf32>
      %broadcast_in_dim3A_124 = vector.shape_cast %eq3A_117 : vector<1x8x1x1xi1> to vector<1x8x1x1xi1>
      %broadcast_in_dim3A_125 = vector.broadcast %broadcast_in_dim3A_124 : vector<1x8x1x1xi1> to vector<32x8x8x128xi1>
      %select_n3A_126 = arith.select %broadcast_in_dim3A_125, %min3A_120, %roll3A_123 : vector<32x8x8x128xi1>, vector<32x8x8x128xf32>
      %iota3A_127 = tpu.iota {dimensions = array<i32: 1>} : vector<1x8x1x1xi32>
      %and3A_128 = arith.constant 1 : i32
      %and3A_129 = vector.broadcast %and3A_128 : i32 to vector<1x8x1x1xi32>
      %and3A_130 = arith.andi %iota3A_127, %and3A_129 : vector<1x8x1x1xi32>
      %eq3A_131 = arith.constant 0 : i32
      %eq3A_132 = vector.broadcast %eq3A_131 : i32 to vector<1x8x1x1xi32>
      %eq3A_133 = arith.cmpi eq, %and3A_130, %eq3A_132 : vector<1x8x1x1xi32>
      %roll3A_134 = arith.constant 7 : i32
      %roll3A_135 = tpu.dynamic_rotate %select_n3A_126 by %roll3A_134 dim 1 : vector<32x8x8x128xf32>, i32 -> vector<32x8x8x128xf32>
      %min3A_136 = arith.minimumf %select_n3A_126, %roll3A_135 : vector<32x8x8x128xf32>
      %max3A_137 = arith.maximumf %select_n3A_126, %roll3A_135 : vector<32x8x8x128xf32>
      %roll3A_138 = arith.constant 1 : i32
      %roll3A_139 = tpu.dynamic_rotate %max3A_137 by %roll3A_138 dim 1 : vector<32x8x8x128xf32>, i32 -> vector<32x8x8x128xf32>
      %broadcast_in_dim3A_140 = vector.shape_cast %eq3A_133 : vector<1x8x1x1xi1> to vector<1x8x1x1xi1>
      %broadcast_in_dim3A_141 = vector.broadcast %broadcast_in_dim3A_140 : vector<1x8x1x1xi1> to vector<32x8x8x128xi1>
      %select_n3A_142 = arith.select %broadcast_in_dim3A_141, %min3A_136, %roll3A_139 : vector<32x8x8x128xi1>, vector<32x8x8x128xf32>
      %get3A_143 = arith.constant 3 : index
      %get3A_144 = arith.constant 0 : index
      %get3A_145 = arith.constant 0 : index
      %get3A_146 = arith.constant 0 : index
      %get3A_147 = vector.load %arg3[%get3A_143, %get3A_144, %get3A_145, %get3A_146] : memref<13x8x8x128xi32, #tpu.memory_space<vmem>>, vector<1x8x8x128xi32>
      %get3A_148 = vector.shape_cast %get3A_147 : vector<1x8x8x128xi32> to vector<8x8x128xi32>
      %broadcast_in_dim3A_149 = vector.shape_cast %get3A_148 : vector<8x8x128xi32> to vector<1x8x8x128xi32>
      %bitcast_convert_type3A_150 = tpu.bitcast %select_n3A_142 : vector<32x8x8x128xf32> -> vector<32x8x8x128xi32>
      %xor3A_151 = vector.broadcast %broadcast_in_dim3A_149 : vector<1x8x8x128xi32> to vector<32x8x8x128xi32>
      %xor3A_152 = arith.xori %bitcast_convert_type3A_150, %xor3A_151 : vector<32x8x8x128xi32>
      %bitcast_convert_type3A_153 = tpu.bitcast %xor3A_152 : vector<32x8x8x128xi32> -> vector<32x8x8x128xf32>
      %iota3A_154 = tpu.iota {dimensions = array<i32: 2>} : vector<1x1x8x1xi32>
      %and3A_155 = arith.constant 1 : i32
      %and3A_156 = vector.broadcast %and3A_155 : i32 to vector<1x1x8x1xi32>
      %and3A_157 = arith.andi %iota3A_154, %and3A_156 : vector<1x1x8x1xi32>
      %eq3A_158 = arith.constant 0 : i32
      %eq3A_159 = vector.broadcast %eq3A_158 : i32 to vector<1x1x8x1xi32>
      %eq3A_160 = arith.cmpi eq, %and3A_157, %eq3A_159 : vector<1x1x8x1xi32>
      %roll3A_161 = arith.constant 7 : i32
      %roll3A_162 = tpu.dynamic_rotate %bitcast_convert_type3A_153 by %roll3A_161 dim 2 : vector<32x8x8x128xf32>, i32 -> vector<32x8x8x128xf32>
      %min3A_163 = arith.minimumf %bitcast_convert_type3A_153, %roll3A_162 : vector<32x8x8x128xf32>
      %max3A_164 = arith.maximumf %bitcast_convert_type3A_153, %roll3A_162 : vector<32x8x8x128xf32>
      %roll3A_165 = arith.constant 1 : i32
      %roll3A_166 = tpu.dynamic_rotate %max3A_164 by %roll3A_165 dim 2 : vector<32x8x8x128xf32>, i32 -> vector<32x8x8x128xf32>
      %broadcast_in_dim3A_167 = vector.shape_cast %eq3A_160 : vector<1x1x8x1xi1> to vector<1x1x8x1xi1>
      %broadcast_in_dim3A_168 = vector.broadcast %broadcast_in_dim3A_167 : vector<1x1x8x1xi1> to vector<32x8x8x128xi1>
      %select_n3A_169 = arith.select %broadcast_in_dim3A_168, %min3A_163, %roll3A_166 : vector<32x8x8x128xi1>, vector<32x8x8x128xf32>
      %iota3A_170 = tpu.iota {dimensions = array<i32: 1>} : vector<1x8x1x1xi32>
      %and3A_171 = arith.constant 4 : i32
      %and3A_172 = vector.broadcast %and3A_171 : i32 to vector<1x8x1x1xi32>
      %and3A_173 = arith.andi %iota3A_170, %and3A_172 : vector<1x8x1x1xi32>
      %eq3A_174 = arith.constant 0 : i32
      %eq3A_175 = vector.broadcast %eq3A_174 : i32 to vector<1x8x1x1xi32>
      %eq3A_176 = arith.cmpi eq, %and3A_173, %eq3A_175 : vector<1x8x1x1xi32>
      %roll3A_177 = arith.constant 4 : i32
      %roll3A_178 = tpu.dynamic_rotate %select_n3A_169 by %roll3A_177 dim 1 : vector<32x8x8x128xf32>, i32 -> vector<32x8x8x128xf32>
      %min3A_179 = arith.minimumf %select_n3A_169, %roll3A_178 : vector<32x8x8x128xf32>
      %max3A_180 = arith.maximumf %select_n3A_169, %roll3A_178 : vector<32x8x8x128xf32>
      %roll3A_181 = arith.constant 4 : i32
      %roll3A_182 = tpu.dynamic_rotate %max3A_180 by %roll3A_181 dim 1 : vector<32x8x8x128xf32>, i32 -> vector<32x8x8x128xf32>
      %broadcast_in_dim3A_183 = vector.shape_cast %eq3A_176 : vector<1x8x1x1xi1> to vector<1x8x1x1xi1>
      %broadcast_in_dim3A_184 = vector.broadcast %broadcast_in_dim3A_183 : vector<1x8x1x1xi1> to vector<32x8x8x128xi1>
      %select_n3A_185 = arith.select %broadcast_in_dim3A_184, %min3A_179, %roll3A_182 : vector<32x8x8x128xi1>, vector<32x8x8x128xf32>
      %iota3A_186 = tpu.iota {dimensions = array<i32: 1>} : vector<1x8x1x1xi32>
      %and3A_187 = arith.constant 2 : i32
      %and3A_188 = vector.broadcast %and3A_187 : i32 to vector<1x8x1x1xi32>
      %and3A_189 = arith.andi %iota3A_186, %and3A_188 : vector<1x8x1x1xi32>
      %eq3A_190 = arith.constant 0 : i32
      %eq3A_191 = vector.broadcast %eq3A_190 : i32 to vector<1x8x1x1xi32>
      %eq3A_192 = arith.cmpi eq, %and3A_189, %eq3A_191 : vector<1x8x1x1xi32>
      %roll3A_193 = arith.constant 6 : i32
      %roll3A_194 = tpu.dynamic_rotate %select_n3A_185 by %roll3A_193 dim 1 : vector<32x8x8x128xf32>, i32 -> vector<32x8x8x128xf32>
      %min3A_195 = arith.minimumf %select_n3A_185, %roll3A_194 : vector<32x8x8x128xf32>
      %max3A_196 = arith.maximumf %select_n3A_185, %roll3A_194 : vector<32x8x8x128xf32>
      %roll3A_197 = arith.constant 2 : i32
      %roll3A_198 = tpu.dynamic_rotate %max3A_196 by %roll3A_197 dim 1 : vector<32x8x8x128xf32>, i32 -> vector<32x8x8x128xf32>
      %broadcast_in_dim3A_199 = vector.shape_cast %eq3A_192 : vector<1x8x1x1xi1> to vector<1x8x1x1xi1>
      %broadcast_in_dim3A_200 = vector.broadcast %broadcast_in_dim3A_199 : vector<1x8x1x1xi1> to vector<32x8x8x128xi1>
      %select_n3A_201 = arith.select %broadcast_in_dim3A_200, %min3A_195, %roll3A_198 : vector<32x8x8x128xi1>, vector<32x8x8x128xf32>
      %iota3A_202 = tpu.iota {dimensions = array<i32: 1>} : vector<1x8x1x1xi32>
      %and3A_203 = arith.constant 1 : i32
      %and3A_204 = vector.broadcast %and3A_203 : i32 to vector<1x8x1x1xi32>
      %and3A_205 = arith.andi %iota3A_202, %and3A_204 : vector<1x8x1x1xi32>
      %eq3A_206 = arith.constant 0 : i32
      %eq3A_207 = vector.broadcast %eq3A_206 : i32 to vector<1x8x1x1xi32>
      %eq3A_208 = arith.cmpi eq, %and3A_205, %eq3A_207 : vector<1x8x1x1xi32>
      %roll3A_209 = arith.constant 7 : i32
      %roll3A_210 = tpu.dynamic_rotate %select_n3A_201 by %roll3A_209 dim 1 : vector<32x8x8x128xf32>, i32 -> vector<32x8x8x128xf32>
      %min3A_211 = arith.minimumf %select_n3A_201, %roll3A_210 : vector<32x8x8x128xf32>
      %max3A_212 = arith.maximumf %select_n3A_201, %roll3A_210 : vector<32x8x8x128xf32>
      %roll3A_213 = arith.constant 1 : i32
      %roll3A_214 = tpu.dynamic_rotate %max3A_212 by %roll3A_213 dim 1 : vector<32x8x8x128xf32>, i32 -> vector<32x8x8x128xf32>
      %broadcast_in_dim3A_215 = vector.shape_cast %eq3A_208 : vector<1x8x1x1xi1> to vector<1x8x1x1xi1>
      %broadcast_in_dim3A_216 = vector.broadcast %broadcast_in_dim3A_215 : vector<1x8x1x1xi1> to vector<32x8x8x128xi1>
      %select_n3A_217 = arith.select %broadcast_in_dim3A_216, %min3A_211, %roll3A_214 : vector<32x8x8x128xi1>, vector<32x8x8x128xf32>
      %get3A_218 = arith.constant 4 : index
      %get3A_219 = arith.constant 0 : index
      %get3A_220 = arith.constant 0 : index
      %get3A_221 = arith.constant 0 : index
      %get3A_222 = vector.load %arg3[%get3A_218, %get3A_219, %get3A_220, %get3A_221] : memref<13x8x8x128xi32, #tpu.memory_space<vmem>>, vector<1x8x8x128xi32>
      %get3A_223 = vector.shape_cast %get3A_222 : vector<1x8x8x128xi32> to vector<8x8x128xi32>
      %broadcast_in_dim3A_224 = vector.shape_cast %get3A_223 : vector<8x8x128xi32> to vector<1x8x8x128xi32>
      %bitcast_convert_type3A_225 = tpu.bitcast %select_n3A_217 : vector<32x8x8x128xf32> -> vector<32x8x8x128xi32>
      %xor3A_226 = vector.broadcast %broadcast_in_dim3A_224 : vector<1x8x8x128xi32> to vector<32x8x8x128xi32>
      %xor3A_227 = arith.xori %bitcast_convert_type3A_225, %xor3A_226 : vector<32x8x8x128xi32>
      %bitcast_convert_type3A_228 = tpu.bitcast %xor3A_227 : vector<32x8x8x128xi32> -> vector<32x8x8x128xf32>
      %iota3A_229 = tpu.iota {dimensions = array<i32: 2>} : vector<1x1x8x1xi32>
      %and3A_230 = arith.constant 2 : i32
      %and3A_231 = vector.broadcast %and3A_230 : i32 to vector<1x1x8x1xi32>
      %and3A_232 = arith.andi %iota3A_229, %and3A_231 : vector<1x1x8x1xi32>
      %eq3A_233 = arith.constant 0 : i32
      %eq3A_234 = vector.broadcast %eq3A_233 : i32 to vector<1x1x8x1xi32>
      %eq3A_235 = arith.cmpi eq, %and3A_232, %eq3A_234 : vector<1x1x8x1xi32>
      %roll3A_236 = arith.constant 6 : i32
      %roll3A_237 = tpu.dynamic_rotate %bitcast_convert_type3A_228 by %roll3A_236 dim 2 : vector<32x8x8x128xf32>, i32 -> vector<32x8x8x128xf32>
      %min3A_238 = arith.minimumf %bitcast_convert_type3A_228, %roll3A_237 : vector<32x8x8x128xf32>
      %max3A_239 = arith.maximumf %bitcast_convert_type3A_228, %roll3A_237 : vector<32x8x8x128xf32>
      %roll3A_240 = arith.constant 2 : i32
      %roll3A_241 = tpu.dynamic_rotate %max3A_239 by %roll3A_240 dim 2 : vector<32x8x8x128xf32>, i32 -> vector<32x8x8x128xf32>
      %broadcast_in_dim3A_242 = vector.shape_cast %eq3A_235 : vector<1x1x8x1xi1> to vector<1x1x8x1xi1>
      %broadcast_in_dim3A_243 = vector.broadcast %broadcast_in_dim3A_242 : vector<1x1x8x1xi1> to vector<32x8x8x128xi1>
      %select_n3A_244 = arith.select %broadcast_in_dim3A_243, %min3A_238, %roll3A_241 : vector<32x8x8x128xi1>, vector<32x8x8x128xf32>
      %iota3A_245 = tpu.iota {dimensions = array<i32: 2>} : vector<1x1x8x1xi32>
      %and3A_246 = arith.constant 1 : i32
      %and3A_247 = vector.broadcast %and3A_246 : i32 to vector<1x1x8x1xi32>
      %and3A_248 = arith.andi %iota3A_245, %and3A_247 : vector<1x1x8x1xi32>
      %eq3A_249 = arith.constant 0 : i32
      %eq3A_250 = vector.broadcast %eq3A_249 : i32 to vector<1x1x8x1xi32>
      %eq3A_251 = arith.cmpi eq, %and3A_248, %eq3A_250 : vector<1x1x8x1xi32>
      %roll3A_252 = arith.constant 7 : i32
      %roll3A_253 = tpu.dynamic_rotate %select_n3A_244 by %roll3A_252 dim 2 : vector<32x8x8x128xf32>, i32 -> vector<32x8x8x128xf32>
      %min3A_254 = arith.minimumf %select_n3A_244, %roll3A_253 : vector<32x8x8x128xf32>
      %max3A_255 = arith.maximumf %select_n3A_244, %roll3A_253 : vector<32x8x8x128xf32>
      %roll3A_256 = arith.constant 1 : i32
      %roll3A_257 = tpu.dynamic_rotate %max3A_255 by %roll3A_256 dim 2 : vector<32x8x8x128xf32>, i32 -> vector<32x8x8x128xf32>
      %broadcast_in_dim3A_258 = vector.shape_cast %eq3A_251 : vector<1x1x8x1xi1> to vector<1x1x8x1xi1>
      %broadcast_in_dim3A_259 = vector.broadcast %broadcast_in_dim3A_258 : vector<1x1x8x1xi1> to vector<32x8x8x128xi1>
      %select_n3A_260 = arith.select %broadcast_in_dim3A_259, %min3A_254, %roll3A_257 : vector<32x8x8x128xi1>, vector<32x8x8x128xf32>
      %iota3A_261 = tpu.iota {dimensions = array<i32: 1>} : vector<1x8x1x1xi32>
      %and3A_262 = arith.constant 4 : i32
      %and3A_263 = vector.broadcast %and3A_262 : i32 to vector<1x8x1x1xi32>
      %and3A_264 = arith.andi %iota3A_261, %and3A_263 : vector<1x8x1x1xi32>
      %eq3A_265 = arith.constant 0 : i32
      %eq3A_266 = vector.broadcast %eq3A_265 : i32 to vector<1x8x1x1xi32>
      %eq3A_267 = arith.cmpi eq, %and3A_264, %eq3A_266 : vector<1x8x1x1xi32>
      %roll3A_268 = arith.constant 4 : i32
      %roll3A_269 = tpu.dynamic_rotate %select_n3A_260 by %roll3A_268 dim 1 : vector<32x8x8x128xf32>, i32 -> vector<32x8x8x128xf32>
      %min3A_270 = arith.minimumf %select_n3A_260, %roll3A_269 : vector<32x8x8x128xf32>
      %max3A_271 = arith.maximumf %select_n3A_260, %roll3A_269 : vector<32x8x8x128xf32>
      %roll3A_272 = arith.constant 4 : i32
      %roll3A_273 = tpu.dynamic_rotate %max3A_271 by %roll3A_272 dim 1 : vector<32x8x8x128xf32>, i32 -> vector<32x8x8x128xf32>
      %broadcast_in_dim3A_274 = vector.shape_cast %eq3A_267 : vector<1x8x1x1xi1> to vector<1x8x1x1xi1>
      %broadcast_in_dim3A_275 = vector.broadcast %broadcast_in_dim3A_274 : vector<1x8x1x1xi1> to vector<32x8x8x128xi1>
      %select_n3A_276 = arith.select %broadcast_in_dim3A_275, %min3A_270, %roll3A_273 : vector<32x8x8x128xi1>, vector<32x8x8x128xf32>
      %iota3A_277 = tpu.iota {dimensions = array<i32: 1>} : vector<1x8x1x1xi32>
      %and3A_278 = arith.constant 2 : i32
      %and3A_279 = vector.broadcast %and3A_278 : i32 to vector<1x8x1x1xi32>
      %and3A_280 = arith.andi %iota3A_277, %and3A_279 : vector<1x8x1x1xi32>
      %eq3A_281 = arith.constant 0 : i32
      %eq3A_282 = vector.broadcast %eq3A_281 : i32 to vector<1x8x1x1xi32>
      %eq3A_283 = arith.cmpi eq, %and3A_280, %eq3A_282 : vector<1x8x1x1xi32>
      %roll3A_284 = arith.constant 6 : i32
      %roll3A_285 = tpu.dynamic_rotate %select_n3A_276 by %roll3A_284 dim 1 : vector<32x8x8x128xf32>, i32 -> vector<32x8x8x128xf32>
      %min3A_286 = arith.minimumf %select_n3A_276, %roll3A_285 : vector<32x8x8x128xf32>
      %max3A_287 = arith.maximumf %select_n3A_276, %roll3A_285 : vector<32x8x8x128xf32>
      %roll3A_288 = arith.constant 2 : i32
      %roll3A_289 = tpu.dynamic_rotate %max3A_287 by %roll3A_288 dim 1 : vector<32x8x8x128xf32>, i32 -> vector<32x8x8x128xf32>
      %broadcast_in_dim3A_290 = vector.shape_cast %eq3A_283 : vector<1x8x1x1xi1> to vector<1x8x1x1xi1>
      %broadcast_in_dim3A_291 = vector.broadcast %broadcast_in_dim3A_290 : vector<1x8x1x1xi1> to vector<32x8x8x128xi1>
      %select_n3A_292 = arith.select %broadcast_in_dim3A_291, %min3A_286, %roll3A_289 : vector<32x8x8x128xi1>, vector<32x8x8x128xf32>
      %iota3A_293 = tpu.iota {dimensions = array<i32: 1>} : vector<1x8x1x1xi32>
      %and3A_294 = arith.constant 1 : i32
      %and3A_295 = vector.broadcast %and3A_294 : i32 to vector<1x8x1x1xi32>
      %and3A_296 = arith.andi %iota3A_293, %and3A_295 : vector<1x8x1x1xi32>
      %eq3A_297 = arith.constant 0 : i32
      %eq3A_298 = vector.broadcast %eq3A_297 : i32 to vector<1x8x1x1xi32>
      %eq3A_299 = arith.cmpi eq, %and3A_296, %eq3A_298 : vector<1x8x1x1xi32>
      %roll3A_300 = arith.constant 7 : i32
      %roll3A_301 = tpu.dynamic_rotate %select_n3A_292 by %roll3A_300 dim 1 : vector<32x8x8x128xf32>, i32 -> vector<32x8x8x128xf32>
      %min3A_302 = arith.minimumf %select_n3A_292, %roll3A_301 : vector<32x8x8x128xf32>
      %max3A_303 = arith.maximumf %select_n3A_292, %roll3A_301 : vector<32x8x8x128xf32>
      %roll3A_304 = arith.constant 1 : i32
      %roll3A_305 = tpu.dynamic_rotate %max3A_303 by %roll3A_304 dim 1 : vector<32x8x8x128xf32>, i32 -> vector<32x8x8x128xf32>
      %broadcast_in_dim3A_306 = vector.shape_cast %eq3A_299 : vector<1x8x1x1xi1> to vector<1x8x1x1xi1>
      %broadcast_in_dim3A_307 = vector.broadcast %broadcast_in_dim3A_306 : vector<1x8x1x1xi1> to vector<32x8x8x128xi1>
      %select_n3A_308 = arith.select %broadcast_in_dim3A_307, %min3A_302, %roll3A_305 : vector<32x8x8x128xi1>, vector<32x8x8x128xf32>
      %get3A_309 = arith.constant 5 : index
      %get3A_310 = arith.constant 0 : index
      %get3A_311 = arith.constant 0 : index
      %get3A_312 = arith.constant 0 : index
      %get3A_313 = vector.load %arg3[%get3A_309, %get3A_310, %get3A_311, %get3A_312] : memref<13x8x8x128xi32, #tpu.memory_space<vmem>>, vector<1x8x8x128xi32>
      %get3A_314 = vector.shape_cast %get3A_313 : vector<1x8x8x128xi32> to vector<8x8x128xi32>
      %broadcast_in_dim3A_315 = vector.shape_cast %get3A_314 : vector<8x8x128xi32> to vector<1x8x8x128xi32>
      %bitcast_convert_type3A_316 = tpu.bitcast %select_n3A_308 : vector<32x8x8x128xf32> -> vector<32x8x8x128xi32>
      %xor3A_317 = vector.broadcast %broadcast_in_dim3A_315 : vector<1x8x8x128xi32> to vector<32x8x8x128xi32>
      %xor3A_318 = arith.xori %bitcast_convert_type3A_316, %xor3A_317 : vector<32x8x8x128xi32>
      %bitcast_convert_type3A_319 = tpu.bitcast %xor3A_318 : vector<32x8x8x128xi32> -> vector<32x8x8x128xf32>
      %iota3A_320 = tpu.iota {dimensions = array<i32: 2>} : vector<1x1x8x1xi32>
      %and3A_321 = arith.constant 4 : i32
      %and3A_322 = vector.broadcast %and3A_321 : i32 to vector<1x1x8x1xi32>
      %and3A_323 = arith.andi %iota3A_320, %and3A_322 : vector<1x1x8x1xi32>
      %eq3A_324 = arith.constant 0 : i32
      %eq3A_325 = vector.broadcast %eq3A_324 : i32 to vector<1x1x8x1xi32>
      %eq3A_326 = arith.cmpi eq, %and3A_323, %eq3A_325 : vector<1x1x8x1xi32>
      %roll3A_327 = arith.constant 4 : i32
      %roll3A_328 = tpu.dynamic_rotate %bitcast_convert_type3A_319 by %roll3A_327 dim 2 : vector<32x8x8x128xf32>, i32 -> vector<32x8x8x128xf32>
      %min3A_329 = arith.minimumf %bitcast_convert_type3A_319, %roll3A_328 : vector<32x8x8x128xf32>
      %max3A_330 = arith.maximumf %bitcast_convert_type3A_319, %roll3A_328 : vector<32x8x8x128xf32>
      %roll3A_331 = arith.constant 4 : i32
      %roll3A_332 = tpu.dynamic_rotate %max3A_330 by %roll3A_331 dim 2 : vector<32x8x8x128xf32>, i32 -> vector<32x8x8x128xf32>
      %broadcast_in_dim3A_333 = vector.shape_cast %eq3A_326 : vector<1x1x8x1xi1> to vector<1x1x8x1xi1>
      %broadcast_in_dim3A_334 = vector.broadcast %broadcast_in_dim3A_333 : vector<1x1x8x1xi1> to vector<32x8x8x128xi1>
      %select_n3A_335 = arith.select %broadcast_in_dim3A_334, %min3A_329, %roll3A_332 : vector<32x8x8x128xi1>, vector<32x8x8x128xf32>
      %iota3A_336 = tpu.iota {dimensions = array<i32: 2>} : vector<1x1x8x1xi32>
      %and3A_337 = arith.constant 2 : i32
      %and3A_338 = vector.broadcast %and3A_337 : i32 to vector<1x1x8x1xi32>
      %and3A_339 = arith.andi %iota3A_336, %and3A_338 : vector<1x1x8x1xi32>
      %eq3A_340 = arith.constant 0 : i32
      %eq3A_341 = vector.broadcast %eq3A_340 : i32 to vector<1x1x8x1xi32>
      %eq3A_342 = arith.cmpi eq, %and3A_339, %eq3A_341 : vector<1x1x8x1xi32>
      %roll3A_343 = arith.constant 6 : i32
      %roll3A_344 = tpu.dynamic_rotate %select_n3A_335 by %roll3A_343 dim 2 : vector<32x8x8x128xf32>, i32 -> vector<32x8x8x128xf32>
      %min3A_345 = arith.minimumf %select_n3A_335, %roll3A_344 : vector<32x8x8x128xf32>
      %max3A_346 = arith.maximumf %select_n3A_335, %roll3A_344 : vector<32x8x8x128xf32>
      %roll3A_347 = arith.constant 2 : i32
      %roll3A_348 = tpu.dynamic_rotate %max3A_346 by %roll3A_347 dim 2 : vector<32x8x8x128xf32>, i32 -> vector<32x8x8x128xf32>
      %broadcast_in_dim3A_349 = vector.shape_cast %eq3A_342 : vector<1x1x8x1xi1> to vector<1x1x8x1xi1>
      %broadcast_in_dim3A_350 = vector.broadcast %broadcast_in_dim3A_349 : vector<1x1x8x1xi1> to vector<32x8x8x128xi1>
      %select_n3A_351 = arith.select %broadcast_in_dim3A_350, %min3A_345, %roll3A_348 : vector<32x8x8x128xi1>, vector<32x8x8x128xf32>
      %iota3A_352 = tpu.iota {dimensions = array<i32: 2>} : vector<1x1x8x1xi32>
      %and3A_353 = arith.constant 1 : i32
      %and3A_354 = vector.broadcast %and3A_353 : i32 to vector<1x1x8x1xi32>
      %and3A_355 = arith.andi %iota3A_352, %and3A_354 : vector<1x1x8x1xi32>
      %eq3A_356 = arith.constant 0 : i32
      %eq3A_357 = vector.broadcast %eq3A_356 : i32 to vector<1x1x8x1xi32>
      %eq3A_358 = arith.cmpi eq, %and3A_355, %eq3A_357 : vector<1x1x8x1xi32>
      %roll3A_359 = arith.constant 7 : i32
      %roll3A_360 = tpu.dynamic_rotate %select_n3A_351 by %roll3A_359 dim 2 : vector<32x8x8x128xf32>, i32 -> vector<32x8x8x128xf32>
      %min3A_361 = arith.minimumf %select_n3A_351, %roll3A_360 : vector<32x8x8x128xf32>
      %max3A_362 = arith.maximumf %select_n3A_351, %roll3A_360 : vector<32x8x8x128xf32>
      %roll3A_363 = arith.constant 1 : i32
      %roll3A_364 = tpu.dynamic_rotate %max3A_362 by %roll3A_363 dim 2 : vector<32x8x8x128xf32>, i32 -> vector<32x8x8x128xf32>
      %broadcast_in_dim3A_365 = vector.shape_cast %eq3A_358 : vector<1x1x8x1xi1> to vector<1x1x8x1xi1>
      %broadcast_in_dim3A_366 = vector.broadcast %broadcast_in_dim3A_365 : vector<1x1x8x1xi1> to vector<32x8x8x128xi1>
      %select_n3A_367 = arith.select %broadcast_in_dim3A_366, %min3A_361, %roll3A_364 : vector<32x8x8x128xi1>, vector<32x8x8x128xf32>
      %iota3A_368 = tpu.iota {dimensions = array<i32: 1>} : vector<1x8x1x1xi32>
      %and3A_369 = arith.constant 4 : i32
      %and3A_370 = vector.broadcast %and3A_369 : i32 to vector<1x8x1x1xi32>
      %and3A_371 = arith.andi %iota3A_368, %and3A_370 : vector<1x8x1x1xi32>
      %eq3A_372 = arith.constant 0 : i32
      %eq3A_373 = vector.broadcast %eq3A_372 : i32 to vector<1x8x1x1xi32>
      %eq3A_374 = arith.cmpi eq, %and3A_371, %eq3A_373 : vector<1x8x1x1xi32>
      %roll3A_375 = arith.constant 4 : i32
      %roll3A_376 = tpu.dynamic_rotate %select_n3A_367 by %roll3A_375 dim 1 : vector<32x8x8x128xf32>, i32 -> vector<32x8x8x128xf32>
      %min3A_377 = arith.minimumf %select_n3A_367, %roll3A_376 : vector<32x8x8x128xf32>
      %max3A_378 = arith.maximumf %select_n3A_367, %roll3A_376 : vector<32x8x8x128xf32>
      %roll3A_379 = arith.constant 4 : i32
      %roll3A_380 = tpu.dynamic_rotate %max3A_378 by %roll3A_379 dim 1 : vector<32x8x8x128xf32>, i32 -> vector<32x8x8x128xf32>
      %broadcast_in_dim3A_381 = vector.shape_cast %eq3A_374 : vector<1x8x1x1xi1> to vector<1x8x1x1xi1>
      %broadcast_in_dim3A_382 = vector.broadcast %broadcast_in_dim3A_381 : vector<1x8x1x1xi1> to vector<32x8x8x128xi1>
      %select_n3A_383 = arith.select %broadcast_in_dim3A_382, %min3A_377, %roll3A_380 : vector<32x8x8x128xi1>, vector<32x8x8x128xf32>
      %iota3A_384 = tpu.iota {dimensions = array<i32: 1>} : vector<1x8x1x1xi32>
      %and3A_385 = arith.constant 2 : i32
      %and3A_386 = vector.broadcast %and3A_385 : i32 to vector<1x8x1x1xi32>
      %and3A_387 = arith.andi %iota3A_384, %and3A_386 : vector<1x8x1x1xi32>
      %eq3A_388 = arith.constant 0 : i32
      %eq3A_389 = vector.broadcast %eq3A_388 : i32 to vector<1x8x1x1xi32>
      %eq3A_390 = arith.cmpi eq, %and3A_387, %eq3A_389 : vector<1x8x1x1xi32>
      %roll3A_391 = arith.constant 6 : i32
      %roll3A_392 = tpu.dynamic_rotate %select_n3A_383 by %roll3A_391 dim 1 : vector<32x8x8x128xf32>, i32 -> vector<32x8x8x128xf32>
      %min3A_393 = arith.minimumf %select_n3A_383, %roll3A_392 : vector<32x8x8x128xf32>
      %max3A_394 = arith.maximumf %select_n3A_383, %roll3A_392 : vector<32x8x8x128xf32>
      %roll3A_395 = arith.constant 2 : i32
      %roll3A_396 = tpu.dynamic_rotate %max3A_394 by %roll3A_395 dim 1 : vector<32x8x8x128xf32>, i32 -> vector<32x8x8x128xf32>
      %broadcast_in_dim3A_397 = vector.shape_cast %eq3A_390 : vector<1x8x1x1xi1> to vector<1x8x1x1xi1>
      %broadcast_in_dim3A_398 = vector.broadcast %broadcast_in_dim3A_397 : vector<1x8x1x1xi1> to vector<32x8x8x128xi1>
      %select_n3A_399 = arith.select %broadcast_in_dim3A_398, %min3A_393, %roll3A_396 : vector<32x8x8x128xi1>, vector<32x8x8x128xf32>
      %iota3A_400 = tpu.iota {dimensions = array<i32: 1>} : vector<1x8x1x1xi32>
      %and3A_401 = arith.constant 1 : i32
      %and3A_402 = vector.broadcast %and3A_401 : i32 to vector<1x8x1x1xi32>
      %and3A_403 = arith.andi %iota3A_400, %and3A_402 : vector<1x8x1x1xi32>
      %eq3A_404 = arith.constant 0 : i32
      %eq3A_405 = vector.broadcast %eq3A_404 : i32 to vector<1x8x1x1xi32>
      %eq3A_406 = arith.cmpi eq, %and3A_403, %eq3A_405 : vector<1x8x1x1xi32>
      %roll3A_407 = arith.constant 7 : i32
      %roll3A_408 = tpu.dynamic_rotate %select_n3A_399 by %roll3A_407 dim 1 : vector<32x8x8x128xf32>, i32 -> vector<32x8x8x128xf32>
      %min3A_409 = arith.minimumf %select_n3A_399, %roll3A_408 : vector<32x8x8x128xf32>
      %max3A_410 = arith.maximumf %select_n3A_399, %roll3A_408 : vector<32x8x8x128xf32>
      %roll3A_411 = arith.constant 1 : i32
      %roll3A_412 = tpu.dynamic_rotate %max3A_410 by %roll3A_411 dim 1 : vector<32x8x8x128xf32>, i32 -> vector<32x8x8x128xf32>
      %broadcast_in_dim3A_413 = vector.shape_cast %eq3A_406 : vector<1x8x1x1xi1> to vector<1x8x1x1xi1>
      %broadcast_in_dim3A_414 = vector.broadcast %broadcast_in_dim3A_413 : vector<1x8x1x1xi1> to vector<32x8x8x128xi1>
      %select_n3A_415 = arith.select %broadcast_in_dim3A_414, %min3A_409, %roll3A_412 : vector<32x8x8x128xi1>, vector<32x8x8x128xf32>
      %get3A_416 = arith.constant 6 : index
      %get3A_417 = arith.constant 0 : index
      %get3A_418 = arith.constant 0 : index
      %get3A_419 = arith.constant 0 : index
      %get3A_420 = vector.load %arg3[%get3A_416, %get3A_417, %get3A_418, %get3A_419] : memref<13x8x8x128xi32, #tpu.memory_space<vmem>>, vector<1x8x8x128xi32>
      %get3A_421 = vector.shape_cast %get3A_420 : vector<1x8x8x128xi32> to vector<8x8x128xi32>
      %broadcast_in_dim3A_422 = vector.shape_cast %get3A_421 : vector<8x8x128xi32> to vector<1x8x8x128xi32>
      %bitcast_convert_type3A_423 = tpu.bitcast %select_n3A_415 : vector<32x8x8x128xf32> -> vector<32x8x8x128xi32>
      %xor3A_424 = vector.broadcast %broadcast_in_dim3A_422 : vector<1x8x8x128xi32> to vector<32x8x8x128xi32>
      %xor3A_425 = arith.xori %bitcast_convert_type3A_423, %xor3A_424 : vector<32x8x8x128xi32>
      %bitcast_convert_type3A_426 = tpu.bitcast %xor3A_425 : vector<32x8x8x128xi32> -> vector<32x8x8x128xf32>
      %iota3A_427 = tpu.iota {dimensions = array<i32: 3>} : vector<1x1x1x128xi32>
      %and3A_428 = arith.constant 1 : i32
      %and3A_429 = vector.broadcast %and3A_428 : i32 to vector<1x1x1x128xi32>
      %and3A_430 = arith.andi %iota3A_427, %and3A_429 : vector<1x1x1x128xi32>
      %eq3A_431 = arith.constant 0 : i32
      %eq3A_432 = vector.broadcast %eq3A_431 : i32 to vector<1x1x1x128xi32>
      %eq3A_433 = arith.cmpi eq, %and3A_430, %eq3A_432 : vector<1x1x1x128xi32>
      %roll3A_434 = arith.constant 127 : i32
      %roll3A_435 = tpu.dynamic_rotate %bitcast_convert_type3A_426 by %roll3A_434 dim 3 : vector<32x8x8x128xf32>, i32 -> vector<32x8x8x128xf32>
      %min3A_436 = arith.minimumf %bitcast_convert_type3A_426, %roll3A_435 : vector<32x8x8x128xf32>
      %max3A_437 = arith.maximumf %bitcast_convert_type3A_426, %roll3A_435 : vector<32x8x8x128xf32>
      %roll3A_438 = arith.constant 1 : i32
      %roll3A_439 = tpu.dynamic_rotate %max3A_437 by %roll3A_438 dim 3 : vector<32x8x8x128xf32>, i32 -> vector<32x8x8x128xf32>
      %broadcast_in_dim3A_440 = vector.shape_cast %eq3A_433 : vector<1x1x1x128xi1> to vector<1x1x1x128xi1>
      %broadcast_in_dim3A_441 = vector.broadcast %broadcast_in_dim3A_440 : vector<1x1x1x128xi1> to vector<32x8x8x128xi1>
      %select_n3A_442 = arith.select %broadcast_in_dim3A_441, %min3A_436, %roll3A_439 : vector<32x8x8x128xi1>, vector<32x8x8x128xf32>
      %iota3A_443 = tpu.iota {dimensions = array<i32: 2>} : vector<1x1x8x1xi32>
      %and3A_444 = arith.constant 4 : i32
      %and3A_445 = vector.broadcast %and3A_444 : i32 to vector<1x1x8x1xi32>
      %and3A_446 = arith.andi %iota3A_443, %and3A_445 : vector<1x1x8x1xi32>
      %eq3A_447 = arith.constant 0 : i32
      %eq3A_448 = vector.broadcast %eq3A_447 : i32 to vector<1x1x8x1xi32>
      %eq3A_449 = arith.cmpi eq, %and3A_446, %eq3A_448 : vector<1x1x8x1xi32>
      %roll3A_450 = arith.constant 4 : i32
      %roll3A_451 = tpu.dynamic_rotate %select_n3A_442 by %roll3A_450 dim 2 : vector<32x8x8x128xf32>, i32 -> vector<32x8x8x128xf32>
      %min3A_452 = arith.minimumf %select_n3A_442, %roll3A_451 : vector<32x8x8x128xf32>
      %max3A_453 = arith.maximumf %select_n3A_442, %roll3A_451 : vector<32x8x8x128xf32>
      %roll3A_454 = arith.constant 4 : i32
      %roll3A_455 = tpu.dynamic_rotate %max3A_453 by %roll3A_454 dim 2 : vector<32x8x8x128xf32>, i32 -> vector<32x8x8x128xf32>
      %broadcast_in_dim3A_456 = vector.shape_cast %eq3A_449 : vector<1x1x8x1xi1> to vector<1x1x8x1xi1>
      %broadcast_in_dim3A_457 = vector.broadcast %broadcast_in_dim3A_456 : vector<1x1x8x1xi1> to vector<32x8x8x128xi1>
      %select_n3A_458 = arith.select %broadcast_in_dim3A_457, %min3A_452, %roll3A_455 : vector<32x8x8x128xi1>, vector<32x8x8x128xf32>
      %iota3A_459 = tpu.iota {dimensions = array<i32: 2>} : vector<1x1x8x1xi32>
      %and3A_460 = arith.constant 2 : i32
      %and3A_461 = vector.broadcast %and3A_460 : i32 to vector<1x1x8x1xi32>
      %and3A_462 = arith.andi %iota3A_459, %and3A_461 : vector<1x1x8x1xi32>
      %eq3A_463 = arith.constant 0 : i32
      %eq3A_464 = vector.broadcast %eq3A_463 : i32 to vector<1x1x8x1xi32>
      %eq3A_465 = arith.cmpi eq, %and3A_462, %eq3A_464 : vector<1x1x8x1xi32>
      %roll3A_466 = arith.constant 6 : i32
      %roll3A_467 = tpu.dynamic_rotate %select_n3A_458 by %roll3A_466 dim 2 : vector<32x8x8x128xf32>, i32 -> vector<32x8x8x128xf32>
      %min3A_468 = arith.minimumf %select_n3A_458, %roll3A_467 : vector<32x8x8x128xf32>
      %max3A_469 = arith.maximumf %select_n3A_458, %roll3A_467 : vector<32x8x8x128xf32>
      %roll3A_470 = arith.constant 2 : i32
      %roll3A_471 = tpu.dynamic_rotate %max3A_469 by %roll3A_470 dim 2 : vector<32x8x8x128xf32>, i32 -> vector<32x8x8x128xf32>
      %broadcast_in_dim3A_472 = vector.shape_cast %eq3A_465 : vector<1x1x8x1xi1> to vector<1x1x8x1xi1>
      %broadcast_in_dim3A_473 = vector.broadcast %broadcast_in_dim3A_472 : vector<1x1x8x1xi1> to vector<32x8x8x128xi1>
      %select_n3A_474 = arith.select %broadcast_in_dim3A_473, %min3A_468, %roll3A_471 : vector<32x8x8x128xi1>, vector<32x8x8x128xf32>
      %iota3A_475 = tpu.iota {dimensions = array<i32: 2>} : vector<1x1x8x1xi32>
      %and3A_476 = arith.constant 1 : i32
      %and3A_477 = vector.broadcast %and3A_476 : i32 to vector<1x1x8x1xi32>
      %and3A_478 = arith.andi %iota3A_475, %and3A_477 : vector<1x1x8x1xi32>
      %eq3A_479 = arith.constant 0 : i32
      %eq3A_480 = vector.broadcast %eq3A_479 : i32 to vector<1x1x8x1xi32>
      %eq3A_481 = arith.cmpi eq, %and3A_478, %eq3A_480 : vector<1x1x8x1xi32>
      %roll3A_482 = arith.constant 7 : i32
      %roll3A_483 = tpu.dynamic_rotate %select_n3A_474 by %roll3A_482 dim 2 : vector<32x8x8x128xf32>, i32 -> vector<32x8x8x128xf32>
      %min3A_484 = arith.minimumf %select_n3A_474, %roll3A_483 : vector<32x8x8x128xf32>
      %max3A_485 = arith.maximumf %select_n3A_474, %roll3A_483 : vector<32x8x8x128xf32>
      %roll3A_486 = arith.constant 1 : i32
      %roll3A_487 = tpu.dynamic_rotate %max3A_485 by %roll3A_486 dim 2 : vector<32x8x8x128xf32>, i32 -> vector<32x8x8x128xf32>
      %broadcast_in_dim3A_488 = vector.shape_cast %eq3A_481 : vector<1x1x8x1xi1> to vector<1x1x8x1xi1>
      %broadcast_in_dim3A_489 = vector.broadcast %broadcast_in_dim3A_488 : vector<1x1x8x1xi1> to vector<32x8x8x128xi1>
      %select_n3A_490 = arith.select %broadcast_in_dim3A_489, %min3A_484, %roll3A_487 : vector<32x8x8x128xi1>, vector<32x8x8x128xf32>
      %iota3A_491 = tpu.iota {dimensions = array<i32: 1>} : vector<1x8x1x1xi32>
      %and3A_492 = arith.constant 4 : i32
      %and3A_493 = vector.broadcast %and3A_492 : i32 to vector<1x8x1x1xi32>
      %and3A_494 = arith.andi %iota3A_491, %and3A_493 : vector<1x8x1x1xi32>
      %eq3A_495 = arith.constant 0 : i32
      %eq3A_496 = vector.broadcast %eq3A_495 : i32 to vector<1x8x1x1xi32>
      %eq3A_497 = arith.cmpi eq, %and3A_494, %eq3A_496 : vector<1x8x1x1xi32>
      %roll3A_498 = arith.constant 4 : i32
      %roll3A_499 = tpu.dynamic_rotate %select_n3A_490 by %roll3A_498 dim 1 : vector<32x8x8x128xf32>, i32 -> vector<32x8x8x128xf32>
      %min3A_500 = arith.minimumf %select_n3A_490, %roll3A_499 : vector<32x8x8x128xf32>
      %max3A_501 = arith.maximumf %select_n3A_490, %roll3A_499 : vector<32x8x8x128xf32>
      %roll3A_502 = arith.constant 4 : i32
      %roll3A_503 = tpu.dynamic_rotate %max3A_501 by %roll3A_502 dim 1 : vector<32x8x8x128xf32>, i32 -> vector<32x8x8x128xf32>
      %broadcast_in_dim3A_504 = vector.shape_cast %eq3A_497 : vector<1x8x1x1xi1> to vector<1x8x1x1xi1>
      %broadcast_in_dim3A_505 = vector.broadcast %broadcast_in_dim3A_504 : vector<1x8x1x1xi1> to vector<32x8x8x128xi1>
      %select_n3A_506 = arith.select %broadcast_in_dim3A_505, %min3A_500, %roll3A_503 : vector<32x8x8x128xi1>, vector<32x8x8x128xf32>
      %iota3A_507 = tpu.iota {dimensions = array<i32: 1>} : vector<1x8x1x1xi32>
      %and3A_508 = arith.constant 2 : i32
      %and3A_509 = vector.broadcast %and3A_508 : i32 to vector<1x8x1x1xi32>
      %and3A_510 = arith.andi %iota3A_507, %and3A_509 : vector<1x8x1x1xi32>
      %eq3A_511 = arith.constant 0 : i32
      %eq3A_512 = vector.broadcast %eq3A_511 : i32 to vector<1x8x1x1xi32>
      %eq3A_513 = arith.cmpi eq, %and3A_510, %eq3A_512 : vector<1x8x1x1xi32>
      %roll3A_514 = arith.constant 6 : i32
      %roll3A_515 = tpu.dynamic_rotate %select_n3A_506 by %roll3A_514 dim 1 : vector<32x8x8x128xf32>, i32 -> vector<32x8x8x128xf32>
      %min3A_516 = arith.minimumf %select_n3A_506, %roll3A_515 : vector<32x8x8x128xf32>
      %max3A_517 = arith.maximumf %select_n3A_506, %roll3A_515 : vector<32x8x8x128xf32>
      %roll3A_518 = arith.constant 2 : i32
      %roll3A_519 = tpu.dynamic_rotate %max3A_517 by %roll3A_518 dim 1 : vector<32x8x8x128xf32>, i32 -> vector<32x8x8x128xf32>
      %broadcast_in_dim3A_520 = vector.shape_cast %eq3A_513 : vector<1x8x1x1xi1> to vector<1x8x1x1xi1>
      %broadcast_in_dim3A_521 = vector.broadcast %broadcast_in_dim3A_520 : vector<1x8x1x1xi1> to vector<32x8x8x128xi1>
      %select_n3A_522 = arith.select %broadcast_in_dim3A_521, %min3A_516, %roll3A_519 : vector<32x8x8x128xi1>, vector<32x8x8x128xf32>
      %iota3A_523 = tpu.iota {dimensions = array<i32: 1>} : vector<1x8x1x1xi32>
      %and3A_524 = arith.constant 1 : i32
      %and3A_525 = vector.broadcast %and3A_524 : i32 to vector<1x8x1x1xi32>
      %and3A_526 = arith.andi %iota3A_523, %and3A_525 : vector<1x8x1x1xi32>
      %eq3A_527 = arith.constant 0 : i32
      %eq3A_528 = vector.broadcast %eq3A_527 : i32 to vector<1x8x1x1xi32>
      %eq3A_529 = arith.cmpi eq, %and3A_526, %eq3A_528 : vector<1x8x1x1xi32>
      %roll3A_530 = arith.constant 7 : i32
      %roll3A_531 = tpu.dynamic_rotate %select_n3A_522 by %roll3A_530 dim 1 : vector<32x8x8x128xf32>, i32 -> vector<32x8x8x128xf32>
      %min3A_532 = arith.minimumf %select_n3A_522, %roll3A_531 : vector<32x8x8x128xf32>
      %max3A_533 = arith.maximumf %select_n3A_522, %roll3A_531 : vector<32x8x8x128xf32>
      %roll3A_534 = arith.constant 1 : i32
      %roll3A_535 = tpu.dynamic_rotate %max3A_533 by %roll3A_534 dim 1 : vector<32x8x8x128xf32>, i32 -> vector<32x8x8x128xf32>
      %broadcast_in_dim3A_536 = vector.shape_cast %eq3A_529 : vector<1x8x1x1xi1> to vector<1x8x1x1xi1>
      %broadcast_in_dim3A_537 = vector.broadcast %broadcast_in_dim3A_536 : vector<1x8x1x1xi1> to vector<32x8x8x128xi1>
      %select_n3A_538 = arith.select %broadcast_in_dim3A_537, %min3A_532, %roll3A_535 : vector<32x8x8x128xi1>, vector<32x8x8x128xf32>
      %get3A_539 = arith.constant 7 : index
      %get3A_540 = arith.constant 0 : index
      %get3A_541 = arith.constant 0 : index
      %get3A_542 = arith.constant 0 : index
      %get3A_543 = vector.load %arg3[%get3A_539, %get3A_540, %get3A_541, %get3A_542] : memref<13x8x8x128xi32, #tpu.memory_space<vmem>>, vector<1x8x8x128xi32>
      %get3A_544 = vector.shape_cast %get3A_543 : vector<1x8x8x128xi32> to vector<8x8x128xi32>
      %broadcast_in_dim3A_545 = vector.shape_cast %get3A_544 : vector<8x8x128xi32> to vector<1x8x8x128xi32>
      %bitcast_convert_type3A_546 = tpu.bitcast %select_n3A_538 : vector<32x8x8x128xf32> -> vector<32x8x8x128xi32>
      %xor3A_547 = vector.broadcast %broadcast_in_dim3A_545 : vector<1x8x8x128xi32> to vector<32x8x8x128xi32>
      %xor3A_548 = arith.xori %bitcast_convert_type3A_546, %xor3A_547 : vector<32x8x8x128xi32>
      %bitcast_convert_type3A_549 = tpu.bitcast %xor3A_548 : vector<32x8x8x128xi32> -> vector<32x8x8x128xf32>
      %iota3A_550 = tpu.iota {dimensions = array<i32: 3>} : vector<1x1x1x128xi32>
      %and3A_551 = arith.constant 2 : i32
      %and3A_552 = vector.broadcast %and3A_551 : i32 to vector<1x1x1x128xi32>
      %and3A_553 = arith.andi %iota3A_550, %and3A_552 : vector<1x1x1x128xi32>
      %eq3A_554 = arith.constant 0 : i32
      %eq3A_555 = vector.broadcast %eq3A_554 : i32 to vector<1x1x1x128xi32>
      %eq3A_556 = arith.cmpi eq, %and3A_553, %eq3A_555 : vector<1x1x1x128xi32>
      %roll3A_557 = arith.constant 126 : i32
      %roll3A_558 = tpu.dynamic_rotate %bitcast_convert_type3A_549 by %roll3A_557 dim 3 : vector<32x8x8x128xf32>, i32 -> vector<32x8x8x128xf32>
      %min3A_559 = arith.minimumf %bitcast_convert_type3A_549, %roll3A_558 : vector<32x8x8x128xf32>
      %max3A_560 = arith.maximumf %bitcast_convert_type3A_549, %roll3A_558 : vector<32x8x8x128xf32>
      %roll3A_561 = arith.constant 2 : i32
      %roll3A_562 = tpu.dynamic_rotate %max3A_560 by %roll3A_561 dim 3 : vector<32x8x8x128xf32>, i32 -> vector<32x8x8x128xf32>
      %broadcast_in_dim3A_563 = vector.shape_cast %eq3A_556 : vector<1x1x1x128xi1> to vector<1x1x1x128xi1>
      %broadcast_in_dim3A_564 = vector.broadcast %broadcast_in_dim3A_563 : vector<1x1x1x128xi1> to vector<32x8x8x128xi1>
      %select_n3A_565 = arith.select %broadcast_in_dim3A_564, %min3A_559, %roll3A_562 : vector<32x8x8x128xi1>, vector<32x8x8x128xf32>
      %iota3A_566 = tpu.iota {dimensions = array<i32: 3>} : vector<1x1x1x128xi32>
      %and3A_567 = arith.constant 1 : i32
      %and3A_568 = vector.broadcast %and3A_567 : i32 to vector<1x1x1x128xi32>
      %and3A_569 = arith.andi %iota3A_566, %and3A_568 : vector<1x1x1x128xi32>
      %eq3A_570 = arith.constant 0 : i32
      %eq3A_571 = vector.broadcast %eq3A_570 : i32 to vector<1x1x1x128xi32>
      %eq3A_572 = arith.cmpi eq, %and3A_569, %eq3A_571 : vector<1x1x1x128xi32>
      %roll3A_573 = arith.constant 127 : i32
      %roll3A_574 = tpu.dynamic_rotate %select_n3A_565 by %roll3A_573 dim 3 : vector<32x8x8x128xf32>, i32 -> vector<32x8x8x128xf32>
      %min3A_575 = arith.minimumf %select_n3A_565, %roll3A_574 : vector<32x8x8x128xf32>
      %max3A_576 = arith.maximumf %select_n3A_565, %roll3A_574 : vector<32x8x8x128xf32>
      %roll3A_577 = arith.constant 1 : i32
      %roll3A_578 = tpu.dynamic_rotate %max3A_576 by %roll3A_577 dim 3 : vector<32x8x8x128xf32>, i32 -> vector<32x8x8x128xf32>
      %broadcast_in_dim3A_579 = vector.shape_cast %eq3A_572 : vector<1x1x1x128xi1> to vector<1x1x1x128xi1>
      %broadcast_in_dim3A_580 = vector.broadcast %broadcast_in_dim3A_579 : vector<1x1x1x128xi1> to vector<32x8x8x128xi1>
      %select_n3A_581 = arith.select %broadcast_in_dim3A_580, %min3A_575, %roll3A_578 : vector<32x8x8x128xi1>, vector<32x8x8x128xf32>
      %iota3A_582 = tpu.iota {dimensions = array<i32: 2>} : vector<1x1x8x1xi32>
      %and3A_583 = arith.constant 4 : i32
      %and3A_584 = vector.broadcast %and3A_583 : i32 to vector<1x1x8x1xi32>
      %and3A_585 = arith.andi %iota3A_582, %and3A_584 : vector<1x1x8x1xi32>
      %eq3A_586 = arith.constant 0 : i32
      %eq3A_587 = vector.broadcast %eq3A_586 : i32 to vector<1x1x8x1xi32>
      %eq3A_588 = arith.cmpi eq, %and3A_585, %eq3A_587 : vector<1x1x8x1xi32>
      %roll3A_589 = arith.constant 4 : i32
      %roll3A_590 = tpu.dynamic_rotate %select_n3A_581 by %roll3A_589 dim 2 : vector<32x8x8x128xf32>, i32 -> vector<32x8x8x128xf32>
      %min3A_591 = arith.minimumf %select_n3A_581, %roll3A_590 : vector<32x8x8x128xf32>
      %max3A_592 = arith.maximumf %select_n3A_581, %roll3A_590 : vector<32x8x8x128xf32>
      %roll3A_593 = arith.constant 4 : i32
      %roll3A_594 = tpu.dynamic_rotate %max3A_592 by %roll3A_593 dim 2 : vector<32x8x8x128xf32>, i32 -> vector<32x8x8x128xf32>
      %broadcast_in_dim3A_595 = vector.shape_cast %eq3A_588 : vector<1x1x8x1xi1> to vector<1x1x8x1xi1>
      %broadcast_in_dim3A_596 = vector.broadcast %broadcast_in_dim3A_595 : vector<1x1x8x1xi1> to vector<32x8x8x128xi1>
      %select_n3A_597 = arith.select %broadcast_in_dim3A_596, %min3A_591, %roll3A_594 : vector<32x8x8x128xi1>, vector<32x8x8x128xf32>
      %iota3A_598 = tpu.iota {dimensions = array<i32: 2>} : vector<1x1x8x1xi32>
      %and3A_599 = arith.constant 2 : i32
      %and3A_600 = vector.broadcast %and3A_599 : i32 to vector<1x1x8x1xi32>
      %and3A_601 = arith.andi %iota3A_598, %and3A_600 : vector<1x1x8x1xi32>
      %eq3A_602 = arith.constant 0 : i32
      %eq3A_603 = vector.broadcast %eq3A_602 : i32 to vector<1x1x8x1xi32>
      %eq3A_604 = arith.cmpi eq, %and3A_601, %eq3A_603 : vector<1x1x8x1xi32>
      %roll3A_605 = arith.constant 6 : i32
      %roll3A_606 = tpu.dynamic_rotate %select_n3A_597 by %roll3A_605 dim 2 : vector<32x8x8x128xf32>, i32 -> vector<32x8x8x128xf32>
      %min3A_607 = arith.minimumf %select_n3A_597, %roll3A_606 : vector<32x8x8x128xf32>
      %max3A_608 = arith.maximumf %select_n3A_597, %roll3A_606 : vector<32x8x8x128xf32>
      %roll3A_609 = arith.constant 2 : i32
      %roll3A_610 = tpu.dynamic_rotate %max3A_608 by %roll3A_609 dim 2 : vector<32x8x8x128xf32>, i32 -> vector<32x8x8x128xf32>
      %broadcast_in_dim3A_611 = vector.shape_cast %eq3A_604 : vector<1x1x8x1xi1> to vector<1x1x8x1xi1>
      %broadcast_in_dim3A_612 = vector.broadcast %broadcast_in_dim3A_611 : vector<1x1x8x1xi1> to vector<32x8x8x128xi1>
      %select_n3A_613 = arith.select %broadcast_in_dim3A_612, %min3A_607, %roll3A_610 : vector<32x8x8x128xi1>, vector<32x8x8x128xf32>
      %iota3A_614 = tpu.iota {dimensions = array<i32: 2>} : vector<1x1x8x1xi32>
      %and3A_615 = arith.constant 1 : i32
      %and3A_616 = vector.broadcast %and3A_615 : i32 to vector<1x1x8x1xi32>
      %and3A_617 = arith.andi %iota3A_614, %and3A_616 : vector<1x1x8x1xi32>
      %eq3A_618 = arith.constant 0 : i32
      %eq3A_619 = vector.broadcast %eq3A_618 : i32 to vector<1x1x8x1xi32>
      %eq3A_620 = arith.cmpi eq, %and3A_617, %eq3A_619 : vector<1x1x8x1xi32>
      %roll3A_621 = arith.constant 7 : i32
      %roll3A_622 = tpu.dynamic_rotate %select_n3A_613 by %roll3A_621 dim 2 : vector<32x8x8x128xf32>, i32 -> vector<32x8x8x128xf32>
      %min3A_623 = arith.minimumf %select_n3A_613, %roll3A_622 : vector<32x8x8x128xf32>
      %max3A_624 = arith.maximumf %select_n3A_613, %roll3A_622 : vector<32x8x8x128xf32>
      %roll3A_625 = arith.constant 1 : i32
      %roll3A_626 = tpu.dynamic_rotate %max3A_624 by %roll3A_625 dim 2 : vector<32x8x8x128xf32>, i32 -> vector<32x8x8x128xf32>
      %broadcast_in_dim3A_627 = vector.shape_cast %eq3A_620 : vector<1x1x8x1xi1> to vector<1x1x8x1xi1>
      %broadcast_in_dim3A_628 = vector.broadcast %broadcast_in_dim3A_627 : vector<1x1x8x1xi1> to vector<32x8x8x128xi1>
      %select_n3A_629 = arith.select %broadcast_in_dim3A_628, %min3A_623, %roll3A_626 : vector<32x8x8x128xi1>, vector<32x8x8x128xf32>
      %iota3A_630 = tpu.iota {dimensions = array<i32: 1>} : vector<1x8x1x1xi32>
      %and3A_631 = arith.constant 4 : i32
      %and3A_632 = vector.broadcast %and3A_631 : i32 to vector<1x8x1x1xi32>
      %and3A_633 = arith.andi %iota3A_630, %and3A_632 : vector<1x8x1x1xi32>
      %eq3A_634 = arith.constant 0 : i32
      %eq3A_635 = vector.broadcast %eq3A_634 : i32 to vector<1x8x1x1xi32>
      %eq3A_636 = arith.cmpi eq, %and3A_633, %eq3A_635 : vector<1x8x1x1xi32>
      %roll3A_637 = arith.constant 4 : i32
      %roll3A_638 = tpu.dynamic_rotate %select_n3A_629 by %roll3A_637 dim 1 : vector<32x8x8x128xf32>, i32 -> vector<32x8x8x128xf32>
      %min3A_639 = arith.minimumf %select_n3A_629, %roll3A_638 : vector<32x8x8x128xf32>
      %max3A_640 = arith.maximumf %select_n3A_629, %roll3A_638 : vector<32x8x8x128xf32>
      %roll3A_641 = arith.constant 4 : i32
      %roll3A_642 = tpu.dynamic_rotate %max3A_640 by %roll3A_641 dim 1 : vector<32x8x8x128xf32>, i32 -> vector<32x8x8x128xf32>
      %broadcast_in_dim3A_643 = vector.shape_cast %eq3A_636 : vector<1x8x1x1xi1> to vector<1x8x1x1xi1>
      %broadcast_in_dim3A_644 = vector.broadcast %broadcast_in_dim3A_643 : vector<1x8x1x1xi1> to vector<32x8x8x128xi1>
      %select_n3A_645 = arith.select %broadcast_in_dim3A_644, %min3A_639, %roll3A_642 : vector<32x8x8x128xi1>, vector<32x8x8x128xf32>
      %iota3A_646 = tpu.iota {dimensions = array<i32: 1>} : vector<1x8x1x1xi32>
      %and3A_647 = arith.constant 2 : i32
      %and3A_648 = vector.broadcast %and3A_647 : i32 to vector<1x8x1x1xi32>
      %and3A_649 = arith.andi %iota3A_646, %and3A_648 : vector<1x8x1x1xi32>
      %eq3A_650 = arith.constant 0 : i32
      %eq3A_651 = vector.broadcast %eq3A_650 : i32 to vector<1x8x1x1xi32>
      %eq3A_652 = arith.cmpi eq, %and3A_649, %eq3A_651 : vector<1x8x1x1xi32>
      %roll3A_653 = arith.constant 6 : i32
      %roll3A_654 = tpu.dynamic_rotate %select_n3A_645 by %roll3A_653 dim 1 : vector<32x8x8x128xf32>, i32 -> vector<32x8x8x128xf32>
      %min3A_655 = arith.minimumf %select_n3A_645, %roll3A_654 : vector<32x8x8x128xf32>
      %max3A_656 = arith.maximumf %select_n3A_645, %roll3A_654 : vector<32x8x8x128xf32>
      %roll3A_657 = arith.constant 2 : i32
      %roll3A_658 = tpu.dynamic_rotate %max3A_656 by %roll3A_657 dim 1 : vector<32x8x8x128xf32>, i32 -> vector<32x8x8x128xf32>
      %broadcast_in_dim3A_659 = vector.shape_cast %eq3A_652 : vector<1x8x1x1xi1> to vector<1x8x1x1xi1>
      %broadcast_in_dim3A_660 = vector.broadcast %broadcast_in_dim3A_659 : vector<1x8x1x1xi1> to vector<32x8x8x128xi1>
      %select_n3A_661 = arith.select %broadcast_in_dim3A_660, %min3A_655, %roll3A_658 : vector<32x8x8x128xi1>, vector<32x8x8x128xf32>
      %iota3A_662 = tpu.iota {dimensions = array<i32: 1>} : vector<1x8x1x1xi32>
      %and3A_663 = arith.constant 1 : i32
      %and3A_664 = vector.broadcast %and3A_663 : i32 to vector<1x8x1x1xi32>
      %and3A_665 = arith.andi %iota3A_662, %and3A_664 : vector<1x8x1x1xi32>
      %eq3A_666 = arith.constant 0 : i32
      %eq3A_667 = vector.broadcast %eq3A_666 : i32 to vector<1x8x1x1xi32>
      %eq3A_668 = arith.cmpi eq, %and3A_665, %eq3A_667 : vector<1x8x1x1xi32>
      %roll3A_669 = arith.constant 7 : i32
      %roll3A_670 = tpu.dynamic_rotate %select_n3A_661 by %roll3A_669 dim 1 : vector<32x8x8x128xf32>, i32 -> vector<32x8x8x128xf32>
      %min3A_671 = arith.minimumf %select_n3A_661, %roll3A_670 : vector<32x8x8x128xf32>
      %max3A_672 = arith.maximumf %select_n3A_661, %roll3A_670 : vector<32x8x8x128xf32>
      %roll3A_673 = arith.constant 1 : i32
      %roll3A_674 = tpu.dynamic_rotate %max3A_672 by %roll3A_673 dim 1 : vector<32x8x8x128xf32>, i32 -> vector<32x8x8x128xf32>
      %broadcast_in_dim3A_675 = vector.shape_cast %eq3A_668 : vector<1x8x1x1xi1> to vector<1x8x1x1xi1>
      %broadcast_in_dim3A_676 = vector.broadcast %broadcast_in_dim3A_675 : vector<1x8x1x1xi1> to vector<32x8x8x128xi1>
      %select_n3A_677 = arith.select %broadcast_in_dim3A_676, %min3A_671, %roll3A_674 : vector<32x8x8x128xi1>, vector<32x8x8x128xf32>
      %get3A_678 = arith.constant 8 : index
      %get3A_679 = arith.constant 0 : index
      %get3A_680 = arith.constant 0 : index
      %get3A_681 = arith.constant 0 : index
      %get3A_682 = vector.load %arg3[%get3A_678, %get3A_679, %get3A_680, %get3A_681] : memref<13x8x8x128xi32, #tpu.memory_space<vmem>>, vector<1x8x8x128xi32>
      %get3A_683 = vector.shape_cast %get3A_682 : vector<1x8x8x128xi32> to vector<8x8x128xi32>
      %broadcast_in_dim3A_684 = vector.shape_cast %get3A_683 : vector<8x8x128xi32> to vector<1x8x8x128xi32>
      %bitcast_convert_type3A_685 = tpu.bitcast %select_n3A_677 : vector<32x8x8x128xf32> -> vector<32x8x8x128xi32>
      %xor3A_686 = vector.broadcast %broadcast_in_dim3A_684 : vector<1x8x8x128xi32> to vector<32x8x8x128xi32>
      %xor3A_687 = arith.xori %bitcast_convert_type3A_685, %xor3A_686 : vector<32x8x8x128xi32>
      %bitcast_convert_type3A_688 = tpu.bitcast %xor3A_687 : vector<32x8x8x128xi32> -> vector<32x8x8x128xf32>
      %iota3A_689 = tpu.iota {dimensions = array<i32: 3>} : vector<1x1x1x128xi32>
      %and3A_690 = arith.constant 4 : i32
      %and3A_691 = vector.broadcast %and3A_690 : i32 to vector<1x1x1x128xi32>
      %and3A_692 = arith.andi %iota3A_689, %and3A_691 : vector<1x1x1x128xi32>
      %eq3A_693 = arith.constant 0 : i32
      %eq3A_694 = vector.broadcast %eq3A_693 : i32 to vector<1x1x1x128xi32>
      %eq3A_695 = arith.cmpi eq, %and3A_692, %eq3A_694 : vector<1x1x1x128xi32>
      %roll3A_696 = arith.constant 124 : i32
      %roll3A_697 = tpu.dynamic_rotate %bitcast_convert_type3A_688 by %roll3A_696 dim 3 : vector<32x8x8x128xf32>, i32 -> vector<32x8x8x128xf32>
      %min3A_698 = arith.minimumf %bitcast_convert_type3A_688, %roll3A_697 : vector<32x8x8x128xf32>
      %max3A_699 = arith.maximumf %bitcast_convert_type3A_688, %roll3A_697 : vector<32x8x8x128xf32>
      %roll3A_700 = arith.constant 4 : i32
      %roll3A_701 = tpu.dynamic_rotate %max3A_699 by %roll3A_700 dim 3 : vector<32x8x8x128xf32>, i32 -> vector<32x8x8x128xf32>
      %broadcast_in_dim3A_702 = vector.shape_cast %eq3A_695 : vector<1x1x1x128xi1> to vector<1x1x1x128xi1>
      %broadcast_in_dim3A_703 = vector.broadcast %broadcast_in_dim3A_702 : vector<1x1x1x128xi1> to vector<32x8x8x128xi1>
      %select_n3A_704 = arith.select %broadcast_in_dim3A_703, %min3A_698, %roll3A_701 : vector<32x8x8x128xi1>, vector<32x8x8x128xf32>
      %iota3A_705 = tpu.iota {dimensions = array<i32: 3>} : vector<1x1x1x128xi32>
      %and3A_706 = arith.constant 2 : i32
      %and3A_707 = vector.broadcast %and3A_706 : i32 to vector<1x1x1x128xi32>
      %and3A_708 = arith.andi %iota3A_705, %and3A_707 : vector<1x1x1x128xi32>
      %eq3A_709 = arith.constant 0 : i32
      %eq3A_710 = vector.broadcast %eq3A_709 : i32 to vector<1x1x1x128xi32>
      %eq3A_711 = arith.cmpi eq, %and3A_708, %eq3A_710 : vector<1x1x1x128xi32>
      %roll3A_712 = arith.constant 126 : i32
      %roll3A_713 = tpu.dynamic_rotate %select_n3A_704 by %roll3A_712 dim 3 : vector<32x8x8x128xf32>, i32 -> vector<32x8x8x128xf32>
      %min3A_714 = arith.minimumf %select_n3A_704, %roll3A_713 : vector<32x8x8x128xf32>
      %max3A_715 = arith.maximumf %select_n3A_704, %roll3A_713 : vector<32x8x8x128xf32>
      %roll3A_716 = arith.constant 2 : i32
      %roll3A_717 = tpu.dynamic_rotate %max3A_715 by %roll3A_716 dim 3 : vector<32x8x8x128xf32>, i32 -> vector<32x8x8x128xf32>
      %broadcast_in_dim3A_718 = vector.shape_cast %eq3A_711 : vector<1x1x1x128xi1> to vector<1x1x1x128xi1>
      %broadcast_in_dim3A_719 = vector.broadcast %broadcast_in_dim3A_718 : vector<1x1x1x128xi1> to vector<32x8x8x128xi1>
      %select_n3A_720 = arith.select %broadcast_in_dim3A_719, %min3A_714, %roll3A_717 : vector<32x8x8x128xi1>, vector<32x8x8x128xf32>
      %iota3A_721 = tpu.iota {dimensions = array<i32: 3>} : vector<1x1x1x128xi32>
      %and3A_722 = arith.constant 1 : i32
      %and3A_723 = vector.broadcast %and3A_722 : i32 to vector<1x1x1x128xi32>
      %and3A_724 = arith.andi %iota3A_721, %and3A_723 : vector<1x1x1x128xi32>
      %eq3A_725 = arith.constant 0 : i32
      %eq3A_726 = vector.broadcast %eq3A_725 : i32 to vector<1x1x1x128xi32>
      %eq3A_727 = arith.cmpi eq, %and3A_724, %eq3A_726 : vector<1x1x1x128xi32>
      %roll3A_728 = arith.constant 127 : i32
      %roll3A_729 = tpu.dynamic_rotate %select_n3A_720 by %roll3A_728 dim 3 : vector<32x8x8x128xf32>, i32 -> vector<32x8x8x128xf32>
      %min3A_730 = arith.minimumf %select_n3A_720, %roll3A_729 : vector<32x8x8x128xf32>
      %max3A_731 = arith.maximumf %select_n3A_720, %roll3A_729 : vector<32x8x8x128xf32>
      %roll3A_732 = arith.constant 1 : i32
      %roll3A_733 = tpu.dynamic_rotate %max3A_731 by %roll3A_732 dim 3 : vector<32x8x8x128xf32>, i32 -> vector<32x8x8x128xf32>
      %broadcast_in_dim3A_734 = vector.shape_cast %eq3A_727 : vector<1x1x1x128xi1> to vector<1x1x1x128xi1>
      %broadcast_in_dim3A_735 = vector.broadcast %broadcast_in_dim3A_734 : vector<1x1x1x128xi1> to vector<32x8x8x128xi1>
      %select_n3A_736 = arith.select %broadcast_in_dim3A_735, %min3A_730, %roll3A_733 : vector<32x8x8x128xi1>, vector<32x8x8x128xf32>
      %iota3A_737 = tpu.iota {dimensions = array<i32: 2>} : vector<1x1x8x1xi32>
      %and3A_738 = arith.constant 4 : i32
      %and3A_739 = vector.broadcast %and3A_738 : i32 to vector<1x1x8x1xi32>
      %and3A_740 = arith.andi %iota3A_737, %and3A_739 : vector<1x1x8x1xi32>
      %eq3A_741 = arith.constant 0 : i32
      %eq3A_742 = vector.broadcast %eq3A_741 : i32 to vector<1x1x8x1xi32>
      %eq3A_743 = arith.cmpi eq, %and3A_740, %eq3A_742 : vector<1x1x8x1xi32>
      %roll3A_744 = arith.constant 4 : i32
      %roll3A_745 = tpu.dynamic_rotate %select_n3A_736 by %roll3A_744 dim 2 : vector<32x8x8x128xf32>, i32 -> vector<32x8x8x128xf32>
      %min3A_746 = arith.minimumf %select_n3A_736, %roll3A_745 : vector<32x8x8x128xf32>
      %max3A_747 = arith.maximumf %select_n3A_736, %roll3A_745 : vector<32x8x8x128xf32>
      %roll3A_748 = arith.constant 4 : i32
      %roll3A_749 = tpu.dynamic_rotate %max3A_747 by %roll3A_748 dim 2 : vector<32x8x8x128xf32>, i32 -> vector<32x8x8x128xf32>
      %broadcast_in_dim3A_750 = vector.shape_cast %eq3A_743 : vector<1x1x8x1xi1> to vector<1x1x8x1xi1>
      %broadcast_in_dim3A_751 = vector.broadcast %broadcast_in_dim3A_750 : vector<1x1x8x1xi1> to vector<32x8x8x128xi1>
      %select_n3A_752 = arith.select %broadcast_in_dim3A_751, %min3A_746, %roll3A_749 : vector<32x8x8x128xi1>, vector<32x8x8x128xf32>
      %iota3A_753 = tpu.iota {dimensions = array<i32: 2>} : vector<1x1x8x1xi32>
      %and3A_754 = arith.constant 2 : i32
      %and3A_755 = vector.broadcast %and3A_754 : i32 to vector<1x1x8x1xi32>
      %and3A_756 = arith.andi %iota3A_753, %and3A_755 : vector<1x1x8x1xi32>
      %eq3A_757 = arith.constant 0 : i32
      %eq3A_758 = vector.broadcast %eq3A_757 : i32 to vector<1x1x8x1xi32>
      %eq3A_759 = arith.cmpi eq, %and3A_756, %eq3A_758 : vector<1x1x8x1xi32>
      %roll3A_760 = arith.constant 6 : i32
      %roll3A_761 = tpu.dynamic_rotate %select_n3A_752 by %roll3A_760 dim 2 : vector<32x8x8x128xf32>, i32 -> vector<32x8x8x128xf32>
      %min3A_762 = arith.minimumf %select_n3A_752, %roll3A_761 : vector<32x8x8x128xf32>
      %max3A_763 = arith.maximumf %select_n3A_752, %roll3A_761 : vector<32x8x8x128xf32>
      %roll3A_764 = arith.constant 2 : i32
      %roll3A_765 = tpu.dynamic_rotate %max3A_763 by %roll3A_764 dim 2 : vector<32x8x8x128xf32>, i32 -> vector<32x8x8x128xf32>
      %broadcast_in_dim3A_766 = vector.shape_cast %eq3A_759 : vector<1x1x8x1xi1> to vector<1x1x8x1xi1>
      %broadcast_in_dim3A_767 = vector.broadcast %broadcast_in_dim3A_766 : vector<1x1x8x1xi1> to vector<32x8x8x128xi1>
      %select_n3A_768 = arith.select %broadcast_in_dim3A_767, %min3A_762, %roll3A_765 : vector<32x8x8x128xi1>, vector<32x8x8x128xf32>
      %iota3A_769 = tpu.iota {dimensions = array<i32: 2>} : vector<1x1x8x1xi32>
      %and3A_770 = arith.constant 1 : i32
      %and3A_771 = vector.broadcast %and3A_770 : i32 to vector<1x1x8x1xi32>
      %and3A_772 = arith.andi %iota3A_769, %and3A_771 : vector<1x1x8x1xi32>
      %eq3A_773 = arith.constant 0 : i32
      %eq3A_774 = vector.broadcast %eq3A_773 : i32 to vector<1x1x8x1xi32>
      %eq3A_775 = arith.cmpi eq, %and3A_772, %eq3A_774 : vector<1x1x8x1xi32>
      %roll3A_776 = arith.constant 7 : i32
      %roll3A_777 = tpu.dynamic_rotate %select_n3A_768 by %roll3A_776 dim 2 : vector<32x8x8x128xf32>, i32 -> vector<32x8x8x128xf32>
      %min3A_778 = arith.minimumf %select_n3A_768, %roll3A_777 : vector<32x8x8x128xf32>
      %max3A_779 = arith.maximumf %select_n3A_768, %roll3A_777 : vector<32x8x8x128xf32>
      %roll3A_780 = arith.constant 1 : i32
      %roll3A_781 = tpu.dynamic_rotate %max3A_779 by %roll3A_780 dim 2 : vector<32x8x8x128xf32>, i32 -> vector<32x8x8x128xf32>
      %broadcast_in_dim3A_782 = vector.shape_cast %eq3A_775 : vector<1x1x8x1xi1> to vector<1x1x8x1xi1>
      %broadcast_in_dim3A_783 = vector.broadcast %broadcast_in_dim3A_782 : vector<1x1x8x1xi1> to vector<32x8x8x128xi1>
      %select_n3A_784 = arith.select %broadcast_in_dim3A_783, %min3A_778, %roll3A_781 : vector<32x8x8x128xi1>, vector<32x8x8x128xf32>
      %iota3A_785 = tpu.iota {dimensions = array<i32: 1>} : vector<1x8x1x1xi32>
      %and3A_786 = arith.constant 4 : i32
      %and3A_787 = vector.broadcast %and3A_786 : i32 to vector<1x8x1x1xi32>
      %and3A_788 = arith.andi %iota3A_785, %and3A_787 : vector<1x8x1x1xi32>
      %eq3A_789 = arith.constant 0 : i32
      %eq3A_790 = vector.broadcast %eq3A_789 : i32 to vector<1x8x1x1xi32>
      %eq3A_791 = arith.cmpi eq, %and3A_788, %eq3A_790 : vector<1x8x1x1xi32>
      %roll3A_792 = arith.constant 4 : i32
      %roll3A_793 = tpu.dynamic_rotate %select_n3A_784 by %roll3A_792 dim 1 : vector<32x8x8x128xf32>, i32 -> vector<32x8x8x128xf32>
      %min3A_794 = arith.minimumf %select_n3A_784, %roll3A_793 : vector<32x8x8x128xf32>
      %max3A_795 = arith.maximumf %select_n3A_784, %roll3A_793 : vector<32x8x8x128xf32>
      %roll3A_796 = arith.constant 4 : i32
      %roll3A_797 = tpu.dynamic_rotate %max3A_795 by %roll3A_796 dim 1 : vector<32x8x8x128xf32>, i32 -> vector<32x8x8x128xf32>
      %broadcast_in_dim3A_798 = vector.shape_cast %eq3A_791 : vector<1x8x1x1xi1> to vector<1x8x1x1xi1>
      %broadcast_in_dim3A_799 = vector.broadcast %broadcast_in_dim3A_798 : vector<1x8x1x1xi1> to vector<32x8x8x128xi1>
      %select_n3A_800 = arith.select %broadcast_in_dim3A_799, %min3A_794, %roll3A_797 : vector<32x8x8x128xi1>, vector<32x8x8x128xf32>
      %iota3A_801 = tpu.iota {dimensions = array<i32: 1>} : vector<1x8x1x1xi32>
      %and3A_802 = arith.constant 2 : i32
      %and3A_803 = vector.broadcast %and3A_802 : i32 to vector<1x8x1x1xi32>
      %and3A_804 = arith.andi %iota3A_801, %and3A_803 : vector<1x8x1x1xi32>
      %eq3A_805 = arith.constant 0 : i32
      %eq3A_806 = vector.broadcast %eq3A_805 : i32 to vector<1x8x1x1xi32>
      %eq3A_807 = arith.cmpi eq, %and3A_804, %eq3A_806 : vector<1x8x1x1xi32>
      %roll3A_808 = arith.constant 6 : i32
      %roll3A_809 = tpu.dynamic_rotate %select_n3A_800 by %roll3A_808 dim 1 : vector<32x8x8x128xf32>, i32 -> vector<32x8x8x128xf32>
      %min3A_810 = arith.minimumf %select_n3A_800, %roll3A_809 : vector<32x8x8x128xf32>
      %max3A_811 = arith.maximumf %select_n3A_800, %roll3A_809 : vector<32x8x8x128xf32>
      %roll3A_812 = arith.constant 2 : i32
      %roll3A_813 = tpu.dynamic_rotate %max3A_811 by %roll3A_812 dim 1 : vector<32x8x8x128xf32>, i32 -> vector<32x8x8x128xf32>
      %broadcast_in_dim3A_814 = vector.shape_cast %eq3A_807 : vector<1x8x1x1xi1> to vector<1x8x1x1xi1>
      %broadcast_in_dim3A_815 = vector.broadcast %broadcast_in_dim3A_814 : vector<1x8x1x1xi1> to vector<32x8x8x128xi1>
      %select_n3A_816 = arith.select %broadcast_in_dim3A_815, %min3A_810, %roll3A_813 : vector<32x8x8x128xi1>, vector<32x8x8x128xf32>
      %iota3A_817 = tpu.iota {dimensions = array<i32: 1>} : vector<1x8x1x1xi32>
      %and3A_818 = arith.constant 1 : i32
      %and3A_819 = vector.broadcast %and3A_818 : i32 to vector<1x8x1x1xi32>
      %and3A_820 = arith.andi %iota3A_817, %and3A_819 : vector<1x8x1x1xi32>
      %eq3A_821 = arith.constant 0 : i32
      %eq3A_822 = vector.broadcast %eq3A_821 : i32 to vector<1x8x1x1xi32>
      %eq3A_823 = arith.cmpi eq, %and3A_820, %eq3A_822 : vector<1x8x1x1xi32>
      %roll3A_824 = arith.constant 7 : i32
      %roll3A_825 = tpu.dynamic_rotate %select_n3A_816 by %roll3A_824 dim 1 : vector<32x8x8x128xf32>, i32 -> vector<32x8x8x128xf32>
      %min3A_826 = arith.minimumf %select_n3A_816, %roll3A_825 : vector<32x8x8x128xf32>
      %max3A_827 = arith.maximumf %select_n3A_816, %roll3A_825 : vector<32x8x8x128xf32>
      %roll3A_828 = arith.constant 1 : i32
      %roll3A_829 = tpu.dynamic_rotate %max3A_827 by %roll3A_828 dim 1 : vector<32x8x8x128xf32>, i32 -> vector<32x8x8x128xf32>
      %broadcast_in_dim3A_830 = vector.shape_cast %eq3A_823 : vector<1x8x1x1xi1> to vector<1x8x1x1xi1>
      %broadcast_in_dim3A_831 = vector.broadcast %broadcast_in_dim3A_830 : vector<1x8x1x1xi1> to vector<32x8x8x128xi1>
      %select_n3A_832 = arith.select %broadcast_in_dim3A_831, %min3A_826, %roll3A_829 : vector<32x8x8x128xi1>, vector<32x8x8x128xf32>
      %get3A_833 = arith.constant 9 : index
      %get3A_834 = arith.constant 0 : index
      %get3A_835 = arith.constant 0 : index
      %get3A_836 = arith.constant 0 : index
      %get3A_837 = vector.load %arg3[%get3A_833, %get3A_834, %get3A_835, %get3A_836] : memref<13x8x8x128xi32, #tpu.memory_space<vmem>>, vector<1x8x8x128xi32>
      %get3A_838 = vector.shape_cast %get3A_837 : vector<1x8x8x128xi32> to vector<8x8x128xi32>
      %broadcast_in_dim3A_839 = vector.shape_cast %get3A_838 : vector<8x8x128xi32> to vector<1x8x8x128xi32>
      %bitcast_convert_type3A_840 = tpu.bitcast %select_n3A_832 : vector<32x8x8x128xf32> -> vector<32x8x8x128xi32>
      %xor3A_841 = vector.broadcast %broadcast_in_dim3A_839 : vector<1x8x8x128xi32> to vector<32x8x8x128xi32>
      %xor3A_842 = arith.xori %bitcast_convert_type3A_840, %xor3A_841 : vector<32x8x8x128xi32>
      %bitcast_convert_type3A_843 = tpu.bitcast %xor3A_842 : vector<32x8x8x128xi32> -> vector<32x8x8x128xf32>
      %iota3A_844 = tpu.iota {dimensions = array<i32: 3>} : vector<1x1x1x128xi32>
      %and3A_845 = arith.constant 8 : i32
      %and3A_846 = vector.broadcast %and3A_845 : i32 to vector<1x1x1x128xi32>
      %and3A_847 = arith.andi %iota3A_844, %and3A_846 : vector<1x1x1x128xi32>
      %eq3A_848 = arith.constant 0 : i32
      %eq3A_849 = vector.broadcast %eq3A_848 : i32 to vector<1x1x1x128xi32>
      %eq3A_850 = arith.cmpi eq, %and3A_847, %eq3A_849 : vector<1x1x1x128xi32>
      %roll3A_851 = arith.constant 120 : i32
      %roll3A_852 = tpu.dynamic_rotate %bitcast_convert_type3A_843 by %roll3A_851 dim 3 : vector<32x8x8x128xf32>, i32 -> vector<32x8x8x128xf32>
      %min3A_853 = arith.minimumf %bitcast_convert_type3A_843, %roll3A_852 : vector<32x8x8x128xf32>
      %max3A_854 = arith.maximumf %bitcast_convert_type3A_843, %roll3A_852 : vector<32x8x8x128xf32>
      %roll3A_855 = arith.constant 8 : i32
      %roll3A_856 = tpu.dynamic_rotate %max3A_854 by %roll3A_855 dim 3 : vector<32x8x8x128xf32>, i32 -> vector<32x8x8x128xf32>
      %broadcast_in_dim3A_857 = vector.shape_cast %eq3A_850 : vector<1x1x1x128xi1> to vector<1x1x1x128xi1>
      %broadcast_in_dim3A_858 = vector.broadcast %broadcast_in_dim3A_857 : vector<1x1x1x128xi1> to vector<32x8x8x128xi1>
      %select_n3A_859 = arith.select %broadcast_in_dim3A_858, %min3A_853, %roll3A_856 : vector<32x8x8x128xi1>, vector<32x8x8x128xf32>
      %iota3A_860 = tpu.iota {dimensions = array<i32: 3>} : vector<1x1x1x128xi32>
      %and3A_861 = arith.constant 4 : i32
      %and3A_862 = vector.broadcast %and3A_861 : i32 to vector<1x1x1x128xi32>
      %and3A_863 = arith.andi %iota3A_860, %and3A_862 : vector<1x1x1x128xi32>
      %eq3A_864 = arith.constant 0 : i32
      %eq3A_865 = vector.broadcast %eq3A_864 : i32 to vector<1x1x1x128xi32>
      %eq3A_866 = arith.cmpi eq, %and3A_863, %eq3A_865 : vector<1x1x1x128xi32>
      %roll3A_867 = arith.constant 124 : i32
      %roll3A_868 = tpu.dynamic_rotate %select_n3A_859 by %roll3A_867 dim 3 : vector<32x8x8x128xf32>, i32 -> vector<32x8x8x128xf32>
      %min3A_869 = arith.minimumf %select_n3A_859, %roll3A_868 : vector<32x8x8x128xf32>
      %max3A_870 = arith.maximumf %select_n3A_859, %roll3A_868 : vector<32x8x8x128xf32>
      %roll3A_871 = arith.constant 4 : i32
      %roll3A_872 = tpu.dynamic_rotate %max3A_870 by %roll3A_871 dim 3 : vector<32x8x8x128xf32>, i32 -> vector<32x8x8x128xf32>
      %broadcast_in_dim3A_873 = vector.shape_cast %eq3A_866 : vector<1x1x1x128xi1> to vector<1x1x1x128xi1>
      %broadcast_in_dim3A_874 = vector.broadcast %broadcast_in_dim3A_873 : vector<1x1x1x128xi1> to vector<32x8x8x128xi1>
      %select_n3A_875 = arith.select %broadcast_in_dim3A_874, %min3A_869, %roll3A_872 : vector<32x8x8x128xi1>, vector<32x8x8x128xf32>
      %iota3A_876 = tpu.iota {dimensions = array<i32: 3>} : vector<1x1x1x128xi32>
      %and3A_877 = arith.constant 2 : i32
      %and3A_878 = vector.broadcast %and3A_877 : i32 to vector<1x1x1x128xi32>
      %and3A_879 = arith.andi %iota3A_876, %and3A_878 : vector<1x1x1x128xi32>
      %eq3A_880 = arith.constant 0 : i32
      %eq3A_881 = vector.broadcast %eq3A_880 : i32 to vector<1x1x1x128xi32>
      %eq3A_882 = arith.cmpi eq, %and3A_879, %eq3A_881 : vector<1x1x1x128xi32>
      %roll3A_883 = arith.constant 126 : i32
      %roll3A_884 = tpu.dynamic_rotate %select_n3A_875 by %roll3A_883 dim 3 : vector<32x8x8x128xf32>, i32 -> vector<32x8x8x128xf32>
      %min3A_885 = arith.minimumf %select_n3A_875, %roll3A_884 : vector<32x8x8x128xf32>
      %max3A_886 = arith.maximumf %select_n3A_875, %roll3A_884 : vector<32x8x8x128xf32>
      %roll3A_887 = arith.constant 2 : i32
      %roll3A_888 = tpu.dynamic_rotate %max3A_886 by %roll3A_887 dim 3 : vector<32x8x8x128xf32>, i32 -> vector<32x8x8x128xf32>
      %broadcast_in_dim3A_889 = vector.shape_cast %eq3A_882 : vector<1x1x1x128xi1> to vector<1x1x1x128xi1>
      %broadcast_in_dim3A_890 = vector.broadcast %broadcast_in_dim3A_889 : vector<1x1x1x128xi1> to vector<32x8x8x128xi1>
      %select_n3A_891 = arith.select %broadcast_in_dim3A_890, %min3A_885, %roll3A_888 : vector<32x8x8x128xi1>, vector<32x8x8x128xf32>
      %iota3A_892 = tpu.iota {dimensions = array<i32: 3>} : vector<1x1x1x128xi32>
      %and3A_893 = arith.constant 1 : i32
      %and3A_894 = vector.broadcast %and3A_893 : i32 to vector<1x1x1x128xi32>
      %and3A_895 = arith.andi %iota3A_892, %and3A_894 : vector<1x1x1x128xi32>
      %eq3A_896 = arith.constant 0 : i32
      %eq3A_897 = vector.broadcast %eq3A_896 : i32 to vector<1x1x1x128xi32>
      %eq3A_898 = arith.cmpi eq, %and3A_895, %eq3A_897 : vector<1x1x1x128xi32>
      %roll3A_899 = arith.constant 127 : i32
      %roll3A_900 = tpu.dynamic_rotate %select_n3A_891 by %roll3A_899 dim 3 : vector<32x8x8x128xf32>, i32 -> vector<32x8x8x128xf32>
      %min3A_901 = arith.minimumf %select_n3A_891, %roll3A_900 : vector<32x8x8x128xf32>
      %max3A_902 = arith.maximumf %select_n3A_891, %roll3A_900 : vector<32x8x8x128xf32>
      %roll3A_903 = arith.constant 1 : i32
      %roll3A_904 = tpu.dynamic_rotate %max3A_902 by %roll3A_903 dim 3 : vector<32x8x8x128xf32>, i32 -> vector<32x8x8x128xf32>
      %broadcast_in_dim3A_905 = vector.shape_cast %eq3A_898 : vector<1x1x1x128xi1> to vector<1x1x1x128xi1>
      %broadcast_in_dim3A_906 = vector.broadcast %broadcast_in_dim3A_905 : vector<1x1x1x128xi1> to vector<32x8x8x128xi1>
      %select_n3A_907 = arith.select %broadcast_in_dim3A_906, %min3A_901, %roll3A_904 : vector<32x8x8x128xi1>, vector<32x8x8x128xf32>
      %iota3A_908 = tpu.iota {dimensions = array<i32: 2>} : vector<1x1x8x1xi32>
      %and3A_909 = arith.constant 4 : i32
      %and3A_910 = vector.broadcast %and3A_909 : i32 to vector<1x1x8x1xi32>
      %and3A_911 = arith.andi %iota3A_908, %and3A_910 : vector<1x1x8x1xi32>
      %eq3A_912 = arith.constant 0 : i32
      %eq3A_913 = vector.broadcast %eq3A_912 : i32 to vector<1x1x8x1xi32>
      %eq3A_914 = arith.cmpi eq, %and3A_911, %eq3A_913 : vector<1x1x8x1xi32>
      %roll3A_915 = arith.constant 4 : i32
      %roll3A_916 = tpu.dynamic_rotate %select_n3A_907 by %roll3A_915 dim 2 : vector<32x8x8x128xf32>, i32 -> vector<32x8x8x128xf32>
      %min3A_917 = arith.minimumf %select_n3A_907, %roll3A_916 : vector<32x8x8x128xf32>
      %max3A_918 = arith.maximumf %select_n3A_907, %roll3A_916 : vector<32x8x8x128xf32>
      %roll3A_919 = arith.constant 4 : i32
      %roll3A_920 = tpu.dynamic_rotate %max3A_918 by %roll3A_919 dim 2 : vector<32x8x8x128xf32>, i32 -> vector<32x8x8x128xf32>
      %broadcast_in_dim3A_921 = vector.shape_cast %eq3A_914 : vector<1x1x8x1xi1> to vector<1x1x8x1xi1>
      %broadcast_in_dim3A_922 = vector.broadcast %broadcast_in_dim3A_921 : vector<1x1x8x1xi1> to vector<32x8x8x128xi1>
      %select_n3A_923 = arith.select %broadcast_in_dim3A_922, %min3A_917, %roll3A_920 : vector<32x8x8x128xi1>, vector<32x8x8x128xf32>
      %iota3A_924 = tpu.iota {dimensions = array<i32: 2>} : vector<1x1x8x1xi32>
      %and3A_925 = arith.constant 2 : i32
      %and3A_926 = vector.broadcast %and3A_925 : i32 to vector<1x1x8x1xi32>
      %and3A_927 = arith.andi %iota3A_924, %and3A_926 : vector<1x1x8x1xi32>
      %eq3A_928 = arith.constant 0 : i32
      %eq3A_929 = vector.broadcast %eq3A_928 : i32 to vector<1x1x8x1xi32>
      %eq3A_930 = arith.cmpi eq, %and3A_927, %eq3A_929 : vector<1x1x8x1xi32>
      %roll3A_931 = arith.constant 6 : i32
      %roll3A_932 = tpu.dynamic_rotate %select_n3A_923 by %roll3A_931 dim 2 : vector<32x8x8x128xf32>, i32 -> vector<32x8x8x128xf32>
      %min3A_933 = arith.minimumf %select_n3A_923, %roll3A_932 : vector<32x8x8x128xf32>
      %max3A_934 = arith.maximumf %select_n3A_923, %roll3A_932 : vector<32x8x8x128xf32>
      %roll3A_935 = arith.constant 2 : i32
      %roll3A_936 = tpu.dynamic_rotate %max3A_934 by %roll3A_935 dim 2 : vector<32x8x8x128xf32>, i32 -> vector<32x8x8x128xf32>
      %broadcast_in_dim3A_937 = vector.shape_cast %eq3A_930 : vector<1x1x8x1xi1> to vector<1x1x8x1xi1>
      %broadcast_in_dim3A_938 = vector.broadcast %broadcast_in_dim3A_937 : vector<1x1x8x1xi1> to vector<32x8x8x128xi1>
      %select_n3A_939 = arith.select %broadcast_in_dim3A_938, %min3A_933, %roll3A_936 : vector<32x8x8x128xi1>, vector<32x8x8x128xf32>
      %iota3A_940 = tpu.iota {dimensions = array<i32: 2>} : vector<1x1x8x1xi32>
      %and3A_941 = arith.constant 1 : i32
      %and3A_942 = vector.broadcast %and3A_941 : i32 to vector<1x1x8x1xi32>
      %and3A_943 = arith.andi %iota3A_940, %and3A_942 : vector<1x1x8x1xi32>
      %eq3A_944 = arith.constant 0 : i32
      %eq3A_945 = vector.broadcast %eq3A_944 : i32 to vector<1x1x8x1xi32>
      %eq3A_946 = arith.cmpi eq, %and3A_943, %eq3A_945 : vector<1x1x8x1xi32>
      %roll3A_947 = arith.constant 7 : i32
      %roll3A_948 = tpu.dynamic_rotate %select_n3A_939 by %roll3A_947 dim 2 : vector<32x8x8x128xf32>, i32 -> vector<32x8x8x128xf32>
      %min3A_949 = arith.minimumf %select_n3A_939, %roll3A_948 : vector<32x8x8x128xf32>
      %max3A_950 = arith.maximumf %select_n3A_939, %roll3A_948 : vector<32x8x8x128xf32>
      %roll3A_951 = arith.constant 1 : i32
      %roll3A_952 = tpu.dynamic_rotate %max3A_950 by %roll3A_951 dim 2 : vector<32x8x8x128xf32>, i32 -> vector<32x8x8x128xf32>
      %broadcast_in_dim3A_953 = vector.shape_cast %eq3A_946 : vector<1x1x8x1xi1> to vector<1x1x8x1xi1>
      %broadcast_in_dim3A_954 = vector.broadcast %broadcast_in_dim3A_953 : vector<1x1x8x1xi1> to vector<32x8x8x128xi1>
      %select_n3A_955 = arith.select %broadcast_in_dim3A_954, %min3A_949, %roll3A_952 : vector<32x8x8x128xi1>, vector<32x8x8x128xf32>
      %iota3A_956 = tpu.iota {dimensions = array<i32: 1>} : vector<1x8x1x1xi32>
      %and3A_957 = arith.constant 4 : i32
      %and3A_958 = vector.broadcast %and3A_957 : i32 to vector<1x8x1x1xi32>
      %and3A_959 = arith.andi %iota3A_956, %and3A_958 : vector<1x8x1x1xi32>
      %eq3A_960 = arith.constant 0 : i32
      %eq3A_961 = vector.broadcast %eq3A_960 : i32 to vector<1x8x1x1xi32>
      %eq3A_962 = arith.cmpi eq, %and3A_959, %eq3A_961 : vector<1x8x1x1xi32>
      %roll3A_963 = arith.constant 4 : i32
      %roll3A_964 = tpu.dynamic_rotate %select_n3A_955 by %roll3A_963 dim 1 : vector<32x8x8x128xf32>, i32 -> vector<32x8x8x128xf32>
      %min3A_965 = arith.minimumf %select_n3A_955, %roll3A_964 : vector<32x8x8x128xf32>
      %max3A_966 = arith.maximumf %select_n3A_955, %roll3A_964 : vector<32x8x8x128xf32>
      %roll3A_967 = arith.constant 4 : i32
      %roll3A_968 = tpu.dynamic_rotate %max3A_966 by %roll3A_967 dim 1 : vector<32x8x8x128xf32>, i32 -> vector<32x8x8x128xf32>
      %broadcast_in_dim3A_969 = vector.shape_cast %eq3A_962 : vector<1x8x1x1xi1> to vector<1x8x1x1xi1>
      %broadcast_in_dim3A_970 = vector.broadcast %broadcast_in_dim3A_969 : vector<1x8x1x1xi1> to vector<32x8x8x128xi1>
      %select_n3A_971 = arith.select %broadcast_in_dim3A_970, %min3A_965, %roll3A_968 : vector<32x8x8x128xi1>, vector<32x8x8x128xf32>
      %iota3A_972 = tpu.iota {dimensions = array<i32: 1>} : vector<1x8x1x1xi32>
      %and3A_973 = arith.constant 2 : i32
      %and3A_974 = vector.broadcast %and3A_973 : i32 to vector<1x8x1x1xi32>
      %and3A_975 = arith.andi %iota3A_972, %and3A_974 : vector<1x8x1x1xi32>
      %eq3A_976 = arith.constant 0 : i32
      %eq3A_977 = vector.broadcast %eq3A_976 : i32 to vector<1x8x1x1xi32>
      %eq3A_978 = arith.cmpi eq, %and3A_975, %eq3A_977 : vector<1x8x1x1xi32>
      %roll3A_979 = arith.constant 6 : i32
      %roll3A_980 = tpu.dynamic_rotate %select_n3A_971 by %roll3A_979 dim 1 : vector<32x8x8x128xf32>, i32 -> vector<32x8x8x128xf32>
      %min3A_981 = arith.minimumf %select_n3A_971, %roll3A_980 : vector<32x8x8x128xf32>
      %max3A_982 = arith.maximumf %select_n3A_971, %roll3A_980 : vector<32x8x8x128xf32>
      %roll3A_983 = arith.constant 2 : i32
      %roll3A_984 = tpu.dynamic_rotate %max3A_982 by %roll3A_983 dim 1 : vector<32x8x8x128xf32>, i32 -> vector<32x8x8x128xf32>
      %broadcast_in_dim3A_985 = vector.shape_cast %eq3A_978 : vector<1x8x1x1xi1> to vector<1x8x1x1xi1>
      %broadcast_in_dim3A_986 = vector.broadcast %broadcast_in_dim3A_985 : vector<1x8x1x1xi1> to vector<32x8x8x128xi1>
      %select_n3A_987 = arith.select %broadcast_in_dim3A_986, %min3A_981, %roll3A_984 : vector<32x8x8x128xi1>, vector<32x8x8x128xf32>
      %iota3A_988 = tpu.iota {dimensions = array<i32: 1>} : vector<1x8x1x1xi32>
      %and3A_989 = arith.constant 1 : i32
      %and3A_990 = vector.broadcast %and3A_989 : i32 to vector<1x8x1x1xi32>
      %and3A_991 = arith.andi %iota3A_988, %and3A_990 : vector<1x8x1x1xi32>
      %eq3A_992 = arith.constant 0 : i32
      %eq3A_993 = vector.broadcast %eq3A_992 : i32 to vector<1x8x1x1xi32>
      %eq3A_994 = arith.cmpi eq, %and3A_991, %eq3A_993 : vector<1x8x1x1xi32>
      %roll3A_995 = arith.constant 7 : i32
      %roll3A_996 = tpu.dynamic_rotate %select_n3A_987 by %roll3A_995 dim 1 : vector<32x8x8x128xf32>, i32 -> vector<32x8x8x128xf32>
      %min3A_997 = arith.minimumf %select_n3A_987, %roll3A_996 : vector<32x8x8x128xf32>
      %max3A_998 = arith.maximumf %select_n3A_987, %roll3A_996 : vector<32x8x8x128xf32>
      %roll3A_999 = arith.constant 1 : i32
      %roll3A_1000 = tpu.dynamic_rotate %max3A_998 by %roll3A_999 dim 1 : vector<32x8x8x128xf32>, i32 -> vector<32x8x8x128xf32>
      %broadcast_in_dim3A_1001 = vector.shape_cast %eq3A_994 : vector<1x8x1x1xi1> to vector<1x8x1x1xi1>
      %broadcast_in_dim3A_1002 = vector.broadcast %broadcast_in_dim3A_1001 : vector<1x8x1x1xi1> to vector<32x8x8x128xi1>
      %select_n3A_1003 = arith.select %broadcast_in_dim3A_1002, %min3A_997, %roll3A_1000 : vector<32x8x8x128xi1>, vector<32x8x8x128xf32>
      %get3A_1004 = arith.constant 10 : index
      %get3A_1005 = arith.constant 0 : index
      %get3A_1006 = arith.constant 0 : index
      %get3A_1007 = arith.constant 0 : index
      %get3A_1008 = vector.load %arg3[%get3A_1004, %get3A_1005, %get3A_1006, %get3A_1007] : memref<13x8x8x128xi32, #tpu.memory_space<vmem>>, vector<1x8x8x128xi32>
      %get3A_1009 = vector.shape_cast %get3A_1008 : vector<1x8x8x128xi32> to vector<8x8x128xi32>
      %broadcast_in_dim3A_1010 = vector.shape_cast %get3A_1009 : vector<8x8x128xi32> to vector<1x8x8x128xi32>
      %bitcast_convert_type3A_1011 = tpu.bitcast %select_n3A_1003 : vector<32x8x8x128xf32> -> vector<32x8x8x128xi32>
      %xor3A_1012 = vector.broadcast %broadcast_in_dim3A_1010 : vector<1x8x8x128xi32> to vector<32x8x8x128xi32>
      %xor3A_1013 = arith.xori %bitcast_convert_type3A_1011, %xor3A_1012 : vector<32x8x8x128xi32>
      %bitcast_convert_type3A_1014 = tpu.bitcast %xor3A_1013 : vector<32x8x8x128xi32> -> vector<32x8x8x128xf32>
      %iota3A_1015 = tpu.iota {dimensions = array<i32: 3>} : vector<1x1x1x128xi32>
      %and3A_1016 = arith.constant 16 : i32
      %and3A_1017 = vector.broadcast %and3A_1016 : i32 to vector<1x1x1x128xi32>
      %and3A_1018 = arith.andi %iota3A_1015, %and3A_1017 : vector<1x1x1x128xi32>
      %eq3A_1019 = arith.constant 0 : i32
      %eq3A_1020 = vector.broadcast %eq3A_1019 : i32 to vector<1x1x1x128xi32>
      %eq3A_1021 = arith.cmpi eq, %and3A_1018, %eq3A_1020 : vector<1x1x1x128xi32>
      %roll3A_1022 = arith.constant 112 : i32
      %roll3A_1023 = tpu.dynamic_rotate %bitcast_convert_type3A_1014 by %roll3A_1022 dim 3 : vector<32x8x8x128xf32>, i32 -> vector<32x8x8x128xf32>
      %min3A_1024 = arith.minimumf %bitcast_convert_type3A_1014, %roll3A_1023 : vector<32x8x8x128xf32>
      %max3A_1025 = arith.maximumf %bitcast_convert_type3A_1014, %roll3A_1023 : vector<32x8x8x128xf32>
      %roll3A_1026 = arith.constant 16 : i32
      %roll3A_1027 = tpu.dynamic_rotate %max3A_1025 by %roll3A_1026 dim 3 : vector<32x8x8x128xf32>, i32 -> vector<32x8x8x128xf32>
      %broadcast_in_dim3A_1028 = vector.shape_cast %eq3A_1021 : vector<1x1x1x128xi1> to vector<1x1x1x128xi1>
      %broadcast_in_dim3A_1029 = vector.broadcast %broadcast_in_dim3A_1028 : vector<1x1x1x128xi1> to vector<32x8x8x128xi1>
      %select_n3A_1030 = arith.select %broadcast_in_dim3A_1029, %min3A_1024, %roll3A_1027 : vector<32x8x8x128xi1>, vector<32x8x8x128xf32>
      %iota3A_1031 = tpu.iota {dimensions = array<i32: 3>} : vector<1x1x1x128xi32>
      %and3A_1032 = arith.constant 8 : i32
      %and3A_1033 = vector.broadcast %and3A_1032 : i32 to vector<1x1x1x128xi32>
      %and3A_1034 = arith.andi %iota3A_1031, %and3A_1033 : vector<1x1x1x128xi32>
      %eq3A_1035 = arith.constant 0 : i32
      %eq3A_1036 = vector.broadcast %eq3A_1035 : i32 to vector<1x1x1x128xi32>
      %eq3A_1037 = arith.cmpi eq, %and3A_1034, %eq3A_1036 : vector<1x1x1x128xi32>
      %roll3A_1038 = arith.constant 120 : i32
      %roll3A_1039 = tpu.dynamic_rotate %select_n3A_1030 by %roll3A_1038 dim 3 : vector<32x8x8x128xf32>, i32 -> vector<32x8x8x128xf32>
      %min3A_1040 = arith.minimumf %select_n3A_1030, %roll3A_1039 : vector<32x8x8x128xf32>
      %max3A_1041 = arith.maximumf %select_n3A_1030, %roll3A_1039 : vector<32x8x8x128xf32>
      %roll3A_1042 = arith.constant 8 : i32
      %roll3A_1043 = tpu.dynamic_rotate %max3A_1041 by %roll3A_1042 dim 3 : vector<32x8x8x128xf32>, i32 -> vector<32x8x8x128xf32>
      %broadcast_in_dim3A_1044 = vector.shape_cast %eq3A_1037 : vector<1x1x1x128xi1> to vector<1x1x1x128xi1>
      %broadcast_in_dim3A_1045 = vector.broadcast %broadcast_in_dim3A_1044 : vector<1x1x1x128xi1> to vector<32x8x8x128xi1>
      %select_n3A_1046 = arith.select %broadcast_in_dim3A_1045, %min3A_1040, %roll3A_1043 : vector<32x8x8x128xi1>, vector<32x8x8x128xf32>
      %iota3A_1047 = tpu.iota {dimensions = array<i32: 3>} : vector<1x1x1x128xi32>
      %and3A_1048 = arith.constant 4 : i32
      %and3A_1049 = vector.broadcast %and3A_1048 : i32 to vector<1x1x1x128xi32>
      %and3A_1050 = arith.andi %iota3A_1047, %and3A_1049 : vector<1x1x1x128xi32>
      %eq3A_1051 = arith.constant 0 : i32
      %eq3A_1052 = vector.broadcast %eq3A_1051 : i32 to vector<1x1x1x128xi32>
      %eq3A_1053 = arith.cmpi eq, %and3A_1050, %eq3A_1052 : vector<1x1x1x128xi32>
      %roll3A_1054 = arith.constant 124 : i32
      %roll3A_1055 = tpu.dynamic_rotate %select_n3A_1046 by %roll3A_1054 dim 3 : vector<32x8x8x128xf32>, i32 -> vector<32x8x8x128xf32>
      %min3A_1056 = arith.minimumf %select_n3A_1046, %roll3A_1055 : vector<32x8x8x128xf32>
      %max3A_1057 = arith.maximumf %select_n3A_1046, %roll3A_1055 : vector<32x8x8x128xf32>
      %roll3A_1058 = arith.constant 4 : i32
      %roll3A_1059 = tpu.dynamic_rotate %max3A_1057 by %roll3A_1058 dim 3 : vector<32x8x8x128xf32>, i32 -> vector<32x8x8x128xf32>
      %broadcast_in_dim3A_1060 = vector.shape_cast %eq3A_1053 : vector<1x1x1x128xi1> to vector<1x1x1x128xi1>
      %broadcast_in_dim3A_1061 = vector.broadcast %broadcast_in_dim3A_1060 : vector<1x1x1x128xi1> to vector<32x8x8x128xi1>
      %select_n3A_1062 = arith.select %broadcast_in_dim3A_1061, %min3A_1056, %roll3A_1059 : vector<32x8x8x128xi1>, vector<32x8x8x128xf32>
      %iota3A_1063 = tpu.iota {dimensions = array<i32: 3>} : vector<1x1x1x128xi32>
      %and3A_1064 = arith.constant 2 : i32
      %and3A_1065 = vector.broadcast %and3A_1064 : i32 to vector<1x1x1x128xi32>
      %and3A_1066 = arith.andi %iota3A_1063, %and3A_1065 : vector<1x1x1x128xi32>
      %eq3A_1067 = arith.constant 0 : i32
      %eq3A_1068 = vector.broadcast %eq3A_1067 : i32 to vector<1x1x1x128xi32>
      %eq3A_1069 = arith.cmpi eq, %and3A_1066, %eq3A_1068 : vector<1x1x1x128xi32>
      %roll3A_1070 = arith.constant 126 : i32
      %roll3A_1071 = tpu.dynamic_rotate %select_n3A_1062 by %roll3A_1070 dim 3 : vector<32x8x8x128xf32>, i32 -> vector<32x8x8x128xf32>
      %min3A_1072 = arith.minimumf %select_n3A_1062, %roll3A_1071 : vector<32x8x8x128xf32>
      %max3A_1073 = arith.maximumf %select_n3A_1062, %roll3A_1071 : vector<32x8x8x128xf32>
      %roll3A_1074 = arith.constant 2 : i32
      %roll3A_1075 = tpu.dynamic_rotate %max3A_1073 by %roll3A_1074 dim 3 : vector<32x8x8x128xf32>, i32 -> vector<32x8x8x128xf32>
      %broadcast_in_dim3A_1076 = vector.shape_cast %eq3A_1069 : vector<1x1x1x128xi1> to vector<1x1x1x128xi1>
      %broadcast_in_dim3A_1077 = vector.broadcast %broadcast_in_dim3A_1076 : vector<1x1x1x128xi1> to vector<32x8x8x128xi1>
      %select_n3A_1078 = arith.select %broadcast_in_dim3A_1077, %min3A_1072, %roll3A_1075 : vector<32x8x8x128xi1>, vector<32x8x8x128xf32>
      %iota3A_1079 = tpu.iota {dimensions = array<i32: 3>} : vector<1x1x1x128xi32>
      %and3A_1080 = arith.constant 1 : i32
      %and3A_1081 = vector.broadcast %and3A_1080 : i32 to vector<1x1x1x128xi32>
      %and3A_1082 = arith.andi %iota3A_1079, %and3A_1081 : vector<1x1x1x128xi32>
      %eq3A_1083 = arith.constant 0 : i32
      %eq3A_1084 = vector.broadcast %eq3A_1083 : i32 to vector<1x1x1x128xi32>
      %eq3A_1085 = arith.cmpi eq, %and3A_1082, %eq3A_1084 : vector<1x1x1x128xi32>
      %roll3A_1086 = arith.constant 127 : i32
      %roll3A_1087 = tpu.dynamic_rotate %select_n3A_1078 by %roll3A_1086 dim 3 : vector<32x8x8x128xf32>, i32 -> vector<32x8x8x128xf32>
      %min3A_1088 = arith.minimumf %select_n3A_1078, %roll3A_1087 : vector<32x8x8x128xf32>
      %max3A_1089 = arith.maximumf %select_n3A_1078, %roll3A_1087 : vector<32x8x8x128xf32>
      %roll3A_1090 = arith.constant 1 : i32
      %roll3A_1091 = tpu.dynamic_rotate %max3A_1089 by %roll3A_1090 dim 3 : vector<32x8x8x128xf32>, i32 -> vector<32x8x8x128xf32>
      %broadcast_in_dim3A_1092 = vector.shape_cast %eq3A_1085 : vector<1x1x1x128xi1> to vector<1x1x1x128xi1>
      %broadcast_in_dim3A_1093 = vector.broadcast %broadcast_in_dim3A_1092 : vector<1x1x1x128xi1> to vector<32x8x8x128xi1>
      %select_n3A_1094 = arith.select %broadcast_in_dim3A_1093, %min3A_1088, %roll3A_1091 : vector<32x8x8x128xi1>, vector<32x8x8x128xf32>
      %iota3A_1095 = tpu.iota {dimensions = array<i32: 2>} : vector<1x1x8x1xi32>
      %and3A_1096 = arith.constant 4 : i32
      %and3A_1097 = vector.broadcast %and3A_1096 : i32 to vector<1x1x8x1xi32>
      %and3A_1098 = arith.andi %iota3A_1095, %and3A_1097 : vector<1x1x8x1xi32>
      %eq3A_1099 = arith.constant 0 : i32
      %eq3A_1100 = vector.broadcast %eq3A_1099 : i32 to vector<1x1x8x1xi32>
      %eq3A_1101 = arith.cmpi eq, %and3A_1098, %eq3A_1100 : vector<1x1x8x1xi32>
      %roll3A_1102 = arith.constant 4 : i32
      %roll3A_1103 = tpu.dynamic_rotate %select_n3A_1094 by %roll3A_1102 dim 2 : vector<32x8x8x128xf32>, i32 -> vector<32x8x8x128xf32>
      %min3A_1104 = arith.minimumf %select_n3A_1094, %roll3A_1103 : vector<32x8x8x128xf32>
      %max3A_1105 = arith.maximumf %select_n3A_1094, %roll3A_1103 : vector<32x8x8x128xf32>
      %roll3A_1106 = arith.constant 4 : i32
      %roll3A_1107 = tpu.dynamic_rotate %max3A_1105 by %roll3A_1106 dim 2 : vector<32x8x8x128xf32>, i32 -> vector<32x8x8x128xf32>
      %broadcast_in_dim3A_1108 = vector.shape_cast %eq3A_1101 : vector<1x1x8x1xi1> to vector<1x1x8x1xi1>
      %broadcast_in_dim3A_1109 = vector.broadcast %broadcast_in_dim3A_1108 : vector<1x1x8x1xi1> to vector<32x8x8x128xi1>
      %select_n3A_1110 = arith.select %broadcast_in_dim3A_1109, %min3A_1104, %roll3A_1107 : vector<32x8x8x128xi1>, vector<32x8x8x128xf32>
      %iota3A_1111 = tpu.iota {dimensions = array<i32: 2>} : vector<1x1x8x1xi32>
      %and3A_1112 = arith.constant 2 : i32
      %and3A_1113 = vector.broadcast %and3A_1112 : i32 to vector<1x1x8x1xi32>
      %and3A_1114 = arith.andi %iota3A_1111, %and3A_1113 : vector<1x1x8x1xi32>
      %eq3A_1115 = arith.constant 0 : i32
      %eq3A_1116 = vector.broadcast %eq3A_1115 : i32 to vector<1x1x8x1xi32>
      %eq3A_1117 = arith.cmpi eq, %and3A_1114, %eq3A_1116 : vector<1x1x8x1xi32>
      %roll3A_1118 = arith.constant 6 : i32
      %roll3A_1119 = tpu.dynamic_rotate %select_n3A_1110 by %roll3A_1118 dim 2 : vector<32x8x8x128xf32>, i32 -> vector<32x8x8x128xf32>
      %min3A_1120 = arith.minimumf %select_n3A_1110, %roll3A_1119 : vector<32x8x8x128xf32>
      %max3A_1121 = arith.maximumf %select_n3A_1110, %roll3A_1119 : vector<32x8x8x128xf32>
      %roll3A_1122 = arith.constant 2 : i32
      %roll3A_1123 = tpu.dynamic_rotate %max3A_1121 by %roll3A_1122 dim 2 : vector<32x8x8x128xf32>, i32 -> vector<32x8x8x128xf32>
      %broadcast_in_dim3A_1124 = vector.shape_cast %eq3A_1117 : vector<1x1x8x1xi1> to vector<1x1x8x1xi1>
      %broadcast_in_dim3A_1125 = vector.broadcast %broadcast_in_dim3A_1124 : vector<1x1x8x1xi1> to vector<32x8x8x128xi1>
      %select_n3A_1126 = arith.select %broadcast_in_dim3A_1125, %min3A_1120, %roll3A_1123 : vector<32x8x8x128xi1>, vector<32x8x8x128xf32>
      %iota3A_1127 = tpu.iota {dimensions = array<i32: 2>} : vector<1x1x8x1xi32>
      %and3A_1128 = arith.constant 1 : i32
      %and3A_1129 = vector.broadcast %and3A_1128 : i32 to vector<1x1x8x1xi32>
      %and3A_1130 = arith.andi %iota3A_1127, %and3A_1129 : vector<1x1x8x1xi32>
      %eq3A_1131 = arith.constant 0 : i32
      %eq3A_1132 = vector.broadcast %eq3A_1131 : i32 to vector<1x1x8x1xi32>
      %eq3A_1133 = arith.cmpi eq, %and3A_1130, %eq3A_1132 : vector<1x1x8x1xi32>
      %roll3A_1134 = arith.constant 7 : i32
      %roll3A_1135 = tpu.dynamic_rotate %select_n3A_1126 by %roll3A_1134 dim 2 : vector<32x8x8x128xf32>, i32 -> vector<32x8x8x128xf32>
      %min3A_1136 = arith.minimumf %select_n3A_1126, %roll3A_1135 : vector<32x8x8x128xf32>
      %max3A_1137 = arith.maximumf %select_n3A_1126, %roll3A_1135 : vector<32x8x8x128xf32>
      %roll3A_1138 = arith.constant 1 : i32
      %roll3A_1139 = tpu.dynamic_rotate %max3A_1137 by %roll3A_1138 dim 2 : vector<32x8x8x128xf32>, i32 -> vector<32x8x8x128xf32>
      %broadcast_in_dim3A_1140 = vector.shape_cast %eq3A_1133 : vector<1x1x8x1xi1> to vector<1x1x8x1xi1>
      %broadcast_in_dim3A_1141 = vector.broadcast %broadcast_in_dim3A_1140 : vector<1x1x8x1xi1> to vector<32x8x8x128xi1>
      %select_n3A_1142 = arith.select %broadcast_in_dim3A_1141, %min3A_1136, %roll3A_1139 : vector<32x8x8x128xi1>, vector<32x8x8x128xf32>
      %iota3A_1143 = tpu.iota {dimensions = array<i32: 1>} : vector<1x8x1x1xi32>
      %and3A_1144 = arith.constant 4 : i32
      %and3A_1145 = vector.broadcast %and3A_1144 : i32 to vector<1x8x1x1xi32>
      %and3A_1146 = arith.andi %iota3A_1143, %and3A_1145 : vector<1x8x1x1xi32>
      %eq3A_1147 = arith.constant 0 : i32
      %eq3A_1148 = vector.broadcast %eq3A_1147 : i32 to vector<1x8x1x1xi32>
      %eq3A_1149 = arith.cmpi eq, %and3A_1146, %eq3A_1148 : vector<1x8x1x1xi32>
      %roll3A_1150 = arith.constant 4 : i32
      %roll3A_1151 = tpu.dynamic_rotate %select_n3A_1142 by %roll3A_1150 dim 1 : vector<32x8x8x128xf32>, i32 -> vector<32x8x8x128xf32>
      %min3A_1152 = arith.minimumf %select_n3A_1142, %roll3A_1151 : vector<32x8x8x128xf32>
      %max3A_1153 = arith.maximumf %select_n3A_1142, %roll3A_1151 : vector<32x8x8x128xf32>
      %roll3A_1154 = arith.constant 4 : i32
      %roll3A_1155 = tpu.dynamic_rotate %max3A_1153 by %roll3A_1154 dim 1 : vector<32x8x8x128xf32>, i32 -> vector<32x8x8x128xf32>
      %broadcast_in_dim3A_1156 = vector.shape_cast %eq3A_1149 : vector<1x8x1x1xi1> to vector<1x8x1x1xi1>
      %broadcast_in_dim3A_1157 = vector.broadcast %broadcast_in_dim3A_1156 : vector<1x8x1x1xi1> to vector<32x8x8x128xi1>
      %select_n3A_1158 = arith.select %broadcast_in_dim3A_1157, %min3A_1152, %roll3A_1155 : vector<32x8x8x128xi1>, vector<32x8x8x128xf32>
      %iota3A_1159 = tpu.iota {dimensions = array<i32: 1>} : vector<1x8x1x1xi32>
      %and3A_1160 = arith.constant 2 : i32
      %and3A_1161 = vector.broadcast %and3A_1160 : i32 to vector<1x8x1x1xi32>
      %and3A_1162 = arith.andi %iota3A_1159, %and3A_1161 : vector<1x8x1x1xi32>
      %eq3A_1163 = arith.constant 0 : i32
      %eq3A_1164 = vector.broadcast %eq3A_1163 : i32 to vector<1x8x1x1xi32>
      %eq3A_1165 = arith.cmpi eq, %and3A_1162, %eq3A_1164 : vector<1x8x1x1xi32>
      %roll3A_1166 = arith.constant 6 : i32
      %roll3A_1167 = tpu.dynamic_rotate %select_n3A_1158 by %roll3A_1166 dim 1 : vector<32x8x8x128xf32>, i32 -> vector<32x8x8x128xf32>
      %min3A_1168 = arith.minimumf %select_n3A_1158, %roll3A_1167 : vector<32x8x8x128xf32>
      %max3A_1169 = arith.maximumf %select_n3A_1158, %roll3A_1167 : vector<32x8x8x128xf32>
      %roll3A_1170 = arith.constant 2 : i32
      %roll3A_1171 = tpu.dynamic_rotate %max3A_1169 by %roll3A_1170 dim 1 : vector<32x8x8x128xf32>, i32 -> vector<32x8x8x128xf32>
      %broadcast_in_dim3A_1172 = vector.shape_cast %eq3A_1165 : vector<1x8x1x1xi1> to vector<1x8x1x1xi1>
      %broadcast_in_dim3A_1173 = vector.broadcast %broadcast_in_dim3A_1172 : vector<1x8x1x1xi1> to vector<32x8x8x128xi1>
      %select_n3A_1174 = arith.select %broadcast_in_dim3A_1173, %min3A_1168, %roll3A_1171 : vector<32x8x8x128xi1>, vector<32x8x8x128xf32>
      %iota3A_1175 = tpu.iota {dimensions = array<i32: 1>} : vector<1x8x1x1xi32>
      %and3A_1176 = arith.constant 1 : i32
      %and3A_1177 = vector.broadcast %and3A_1176 : i32 to vector<1x8x1x1xi32>
      %and3A_1178 = arith.andi %iota3A_1175, %and3A_1177 : vector<1x8x1x1xi32>
      %eq3A_1179 = arith.constant 0 : i32
      %eq3A_1180 = vector.broadcast %eq3A_1179 : i32 to vector<1x8x1x1xi32>
      %eq3A_1181 = arith.cmpi eq, %and3A_1178, %eq3A_1180 : vector<1x8x1x1xi32>
      %roll3A_1182 = arith.constant 7 : i32
      %roll3A_1183 = tpu.dynamic_rotate %select_n3A_1174 by %roll3A_1182 dim 1 : vector<32x8x8x128xf32>, i32 -> vector<32x8x8x128xf32>
      %min3A_1184 = arith.minimumf %select_n3A_1174, %roll3A_1183 : vector<32x8x8x128xf32>
      %max3A_1185 = arith.maximumf %select_n3A_1174, %roll3A_1183 : vector<32x8x8x128xf32>
      %roll3A_1186 = arith.constant 1 : i32
      %roll3A_1187 = tpu.dynamic_rotate %max3A_1185 by %roll3A_1186 dim 1 : vector<32x8x8x128xf32>, i32 -> vector<32x8x8x128xf32>
      %broadcast_in_dim3A_1188 = vector.shape_cast %eq3A_1181 : vector<1x8x1x1xi1> to vector<1x8x1x1xi1>
      %broadcast_in_dim3A_1189 = vector.broadcast %broadcast_in_dim3A_1188 : vector<1x8x1x1xi1> to vector<32x8x8x128xi1>
      %select_n3A_1190 = arith.select %broadcast_in_dim3A_1189, %min3A_1184, %roll3A_1187 : vector<32x8x8x128xi1>, vector<32x8x8x128xf32>
      %get3A_1191 = arith.constant 11 : index
      %get3A_1192 = arith.constant 0 : index
      %get3A_1193 = arith.constant 0 : index
      %get3A_1194 = arith.constant 0 : index
      %get3A_1195 = vector.load %arg3[%get3A_1191, %get3A_1192, %get3A_1193, %get3A_1194] : memref<13x8x8x128xi32, #tpu.memory_space<vmem>>, vector<1x8x8x128xi32>
      %get3A_1196 = vector.shape_cast %get3A_1195 : vector<1x8x8x128xi32> to vector<8x8x128xi32>
      %broadcast_in_dim3A_1197 = vector.shape_cast %get3A_1196 : vector<8x8x128xi32> to vector<1x8x8x128xi32>
      %bitcast_convert_type3A_1198 = tpu.bitcast %select_n3A_1190 : vector<32x8x8x128xf32> -> vector<32x8x8x128xi32>
      %xor3A_1199 = vector.broadcast %broadcast_in_dim3A_1197 : vector<1x8x8x128xi32> to vector<32x8x8x128xi32>
      %xor3A_1200 = arith.xori %bitcast_convert_type3A_1198, %xor3A_1199 : vector<32x8x8x128xi32>
      %bitcast_convert_type3A_1201 = tpu.bitcast %xor3A_1200 : vector<32x8x8x128xi32> -> vector<32x8x8x128xf32>
      %iota3A_1202 = tpu.iota {dimensions = array<i32: 3>} : vector<1x1x1x128xi32>
      %and3A_1203 = arith.constant 32 : i32
      %and3A_1204 = vector.broadcast %and3A_1203 : i32 to vector<1x1x1x128xi32>
      %and3A_1205 = arith.andi %iota3A_1202, %and3A_1204 : vector<1x1x1x128xi32>
      %eq3A_1206 = arith.constant 0 : i32
      %eq3A_1207 = vector.broadcast %eq3A_1206 : i32 to vector<1x1x1x128xi32>
      %eq3A_1208 = arith.cmpi eq, %and3A_1205, %eq3A_1207 : vector<1x1x1x128xi32>
      %roll3A_1209 = arith.constant 96 : i32
      %roll3A_1210 = tpu.dynamic_rotate %bitcast_convert_type3A_1201 by %roll3A_1209 dim 3 : vector<32x8x8x128xf32>, i32 -> vector<32x8x8x128xf32>
      %min3A_1211 = arith.minimumf %bitcast_convert_type3A_1201, %roll3A_1210 : vector<32x8x8x128xf32>
      %max3A_1212 = arith.maximumf %bitcast_convert_type3A_1201, %roll3A_1210 : vector<32x8x8x128xf32>
      %roll3A_1213 = arith.constant 32 : i32
      %roll3A_1214 = tpu.dynamic_rotate %max3A_1212 by %roll3A_1213 dim 3 : vector<32x8x8x128xf32>, i32 -> vector<32x8x8x128xf32>
      %broadcast_in_dim3A_1215 = vector.shape_cast %eq3A_1208 : vector<1x1x1x128xi1> to vector<1x1x1x128xi1>
      %broadcast_in_dim3A_1216 = vector.broadcast %broadcast_in_dim3A_1215 : vector<1x1x1x128xi1> to vector<32x8x8x128xi1>
      %select_n3A_1217 = arith.select %broadcast_in_dim3A_1216, %min3A_1211, %roll3A_1214 : vector<32x8x8x128xi1>, vector<32x8x8x128xf32>
      %iota3A_1218 = tpu.iota {dimensions = array<i32: 3>} : vector<1x1x1x128xi32>
      %and3A_1219 = arith.constant 16 : i32
      %and3A_1220 = vector.broadcast %and3A_1219 : i32 to vector<1x1x1x128xi32>
      %and3A_1221 = arith.andi %iota3A_1218, %and3A_1220 : vector<1x1x1x128xi32>
      %eq3A_1222 = arith.constant 0 : i32
      %eq3A_1223 = vector.broadcast %eq3A_1222 : i32 to vector<1x1x1x128xi32>
      %eq3A_1224 = arith.cmpi eq, %and3A_1221, %eq3A_1223 : vector<1x1x1x128xi32>
      %roll3A_1225 = arith.constant 112 : i32
      %roll3A_1226 = tpu.dynamic_rotate %select_n3A_1217 by %roll3A_1225 dim 3 : vector<32x8x8x128xf32>, i32 -> vector<32x8x8x128xf32>
      %min3A_1227 = arith.minimumf %select_n3A_1217, %roll3A_1226 : vector<32x8x8x128xf32>
      %max3A_1228 = arith.maximumf %select_n3A_1217, %roll3A_1226 : vector<32x8x8x128xf32>
      %roll3A_1229 = arith.constant 16 : i32
      %roll3A_1230 = tpu.dynamic_rotate %max3A_1228 by %roll3A_1229 dim 3 : vector<32x8x8x128xf32>, i32 -> vector<32x8x8x128xf32>
      %broadcast_in_dim3A_1231 = vector.shape_cast %eq3A_1224 : vector<1x1x1x128xi1> to vector<1x1x1x128xi1>
      %broadcast_in_dim3A_1232 = vector.broadcast %broadcast_in_dim3A_1231 : vector<1x1x1x128xi1> to vector<32x8x8x128xi1>
      %select_n3A_1233 = arith.select %broadcast_in_dim3A_1232, %min3A_1227, %roll3A_1230 : vector<32x8x8x128xi1>, vector<32x8x8x128xf32>
      %iota3A_1234 = tpu.iota {dimensions = array<i32: 3>} : vector<1x1x1x128xi32>
      %and3A_1235 = arith.constant 8 : i32
      %and3A_1236 = vector.broadcast %and3A_1235 : i32 to vector<1x1x1x128xi32>
      %and3A_1237 = arith.andi %iota3A_1234, %and3A_1236 : vector<1x1x1x128xi32>
      %eq3A_1238 = arith.constant 0 : i32
      %eq3A_1239 = vector.broadcast %eq3A_1238 : i32 to vector<1x1x1x128xi32>
      %eq3A_1240 = arith.cmpi eq, %and3A_1237, %eq3A_1239 : vector<1x1x1x128xi32>
      %roll3A_1241 = arith.constant 120 : i32
      %roll3A_1242 = tpu.dynamic_rotate %select_n3A_1233 by %roll3A_1241 dim 3 : vector<32x8x8x128xf32>, i32 -> vector<32x8x8x128xf32>
      %min3A_1243 = arith.minimumf %select_n3A_1233, %roll3A_1242 : vector<32x8x8x128xf32>
      %max3A_1244 = arith.maximumf %select_n3A_1233, %roll3A_1242 : vector<32x8x8x128xf32>
      %roll3A_1245 = arith.constant 8 : i32
      %roll3A_1246 = tpu.dynamic_rotate %max3A_1244 by %roll3A_1245 dim 3 : vector<32x8x8x128xf32>, i32 -> vector<32x8x8x128xf32>
      %broadcast_in_dim3A_1247 = vector.shape_cast %eq3A_1240 : vector<1x1x1x128xi1> to vector<1x1x1x128xi1>
      %broadcast_in_dim3A_1248 = vector.broadcast %broadcast_in_dim3A_1247 : vector<1x1x1x128xi1> to vector<32x8x8x128xi1>
      %select_n3A_1249 = arith.select %broadcast_in_dim3A_1248, %min3A_1243, %roll3A_1246 : vector<32x8x8x128xi1>, vector<32x8x8x128xf32>
      %iota3A_1250 = tpu.iota {dimensions = array<i32: 3>} : vector<1x1x1x128xi32>
      %and3A_1251 = arith.constant 4 : i32
      %and3A_1252 = vector.broadcast %and3A_1251 : i32 to vector<1x1x1x128xi32>
      %and3A_1253 = arith.andi %iota3A_1250, %and3A_1252 : vector<1x1x1x128xi32>
      %eq3A_1254 = arith.constant 0 : i32
      %eq3A_1255 = vector.broadcast %eq3A_1254 : i32 to vector<1x1x1x128xi32>
      %eq3A_1256 = arith.cmpi eq, %and3A_1253, %eq3A_1255 : vector<1x1x1x128xi32>
      %roll3A_1257 = arith.constant 124 : i32
      %roll3A_1258 = tpu.dynamic_rotate %select_n3A_1249 by %roll3A_1257 dim 3 : vector<32x8x8x128xf32>, i32 -> vector<32x8x8x128xf32>
      %min3A_1259 = arith.minimumf %select_n3A_1249, %roll3A_1258 : vector<32x8x8x128xf32>
      %max3A_1260 = arith.maximumf %select_n3A_1249, %roll3A_1258 : vector<32x8x8x128xf32>
      %roll3A_1261 = arith.constant 4 : i32
      %roll3A_1262 = tpu.dynamic_rotate %max3A_1260 by %roll3A_1261 dim 3 : vector<32x8x8x128xf32>, i32 -> vector<32x8x8x128xf32>
      %broadcast_in_dim3A_1263 = vector.shape_cast %eq3A_1256 : vector<1x1x1x128xi1> to vector<1x1x1x128xi1>
      %broadcast_in_dim3A_1264 = vector.broadcast %broadcast_in_dim3A_1263 : vector<1x1x1x128xi1> to vector<32x8x8x128xi1>
      %select_n3A_1265 = arith.select %broadcast_in_dim3A_1264, %min3A_1259, %roll3A_1262 : vector<32x8x8x128xi1>, vector<32x8x8x128xf32>
      %iota3A_1266 = tpu.iota {dimensions = array<i32: 3>} : vector<1x1x1x128xi32>
      %and3A_1267 = arith.constant 2 : i32
      %and3A_1268 = vector.broadcast %and3A_1267 : i32 to vector<1x1x1x128xi32>
      %and3A_1269 = arith.andi %iota3A_1266, %and3A_1268 : vector<1x1x1x128xi32>
      %eq3A_1270 = arith.constant 0 : i32
      %eq3A_1271 = vector.broadcast %eq3A_1270 : i32 to vector<1x1x1x128xi32>
      %eq3A_1272 = arith.cmpi eq, %and3A_1269, %eq3A_1271 : vector<1x1x1x128xi32>
      %roll3A_1273 = arith.constant 126 : i32
      %roll3A_1274 = tpu.dynamic_rotate %select_n3A_1265 by %roll3A_1273 dim 3 : vector<32x8x8x128xf32>, i32 -> vector<32x8x8x128xf32>
      %min3A_1275 = arith.minimumf %select_n3A_1265, %roll3A_1274 : vector<32x8x8x128xf32>
      %max3A_1276 = arith.maximumf %select_n3A_1265, %roll3A_1274 : vector<32x8x8x128xf32>
      %roll3A_1277 = arith.constant 2 : i32
      %roll3A_1278 = tpu.dynamic_rotate %max3A_1276 by %roll3A_1277 dim 3 : vector<32x8x8x128xf32>, i32 -> vector<32x8x8x128xf32>
      %broadcast_in_dim3A_1279 = vector.shape_cast %eq3A_1272 : vector<1x1x1x128xi1> to vector<1x1x1x128xi1>
      %broadcast_in_dim3A_1280 = vector.broadcast %broadcast_in_dim3A_1279 : vector<1x1x1x128xi1> to vector<32x8x8x128xi1>
      %select_n3A_1281 = arith.select %broadcast_in_dim3A_1280, %min3A_1275, %roll3A_1278 : vector<32x8x8x128xi1>, vector<32x8x8x128xf32>
      %iota3A_1282 = tpu.iota {dimensions = array<i32: 3>} : vector<1x1x1x128xi32>
      %and3A_1283 = arith.constant 1 : i32
      %and3A_1284 = vector.broadcast %and3A_1283 : i32 to vector<1x1x1x128xi32>
      %and3A_1285 = arith.andi %iota3A_1282, %and3A_1284 : vector<1x1x1x128xi32>
      %eq3A_1286 = arith.constant 0 : i32
      %eq3A_1287 = vector.broadcast %eq3A_1286 : i32 to vector<1x1x1x128xi32>
      %eq3A_1288 = arith.cmpi eq, %and3A_1285, %eq3A_1287 : vector<1x1x1x128xi32>
      %roll3A_1289 = arith.constant 127 : i32
      %roll3A_1290 = tpu.dynamic_rotate %select_n3A_1281 by %roll3A_1289 dim 3 : vector<32x8x8x128xf32>, i32 -> vector<32x8x8x128xf32>
      %min3A_1291 = arith.minimumf %select_n3A_1281, %roll3A_1290 : vector<32x8x8x128xf32>
      %max3A_1292 = arith.maximumf %select_n3A_1281, %roll3A_1290 : vector<32x8x8x128xf32>
      %roll3A_1293 = arith.constant 1 : i32
      %roll3A_1294 = tpu.dynamic_rotate %max3A_1292 by %roll3A_1293 dim 3 : vector<32x8x8x128xf32>, i32 -> vector<32x8x8x128xf32>
      %broadcast_in_dim3A_1295 = vector.shape_cast %eq3A_1288 : vector<1x1x1x128xi1> to vector<1x1x1x128xi1>
      %broadcast_in_dim3A_1296 = vector.broadcast %broadcast_in_dim3A_1295 : vector<1x1x1x128xi1> to vector<32x8x8x128xi1>
      %select_n3A_1297 = arith.select %broadcast_in_dim3A_1296, %min3A_1291, %roll3A_1294 : vector<32x8x8x128xi1>, vector<32x8x8x128xf32>
      %iota3A_1298 = tpu.iota {dimensions = array<i32: 2>} : vector<1x1x8x1xi32>
      %and3A_1299 = arith.constant 4 : i32
      %and3A_1300 = vector.broadcast %and3A_1299 : i32 to vector<1x1x8x1xi32>
      %and3A_1301 = arith.andi %iota3A_1298, %and3A_1300 : vector<1x1x8x1xi32>
      %eq3A_1302 = arith.constant 0 : i32
      %eq3A_1303 = vector.broadcast %eq3A_1302 : i32 to vector<1x1x8x1xi32>
      %eq3A_1304 = arith.cmpi eq, %and3A_1301, %eq3A_1303 : vector<1x1x8x1xi32>
      %roll3A_1305 = arith.constant 4 : i32
      %roll3A_1306 = tpu.dynamic_rotate %select_n3A_1297 by %roll3A_1305 dim 2 : vector<32x8x8x128xf32>, i32 -> vector<32x8x8x128xf32>
      %min3A_1307 = arith.minimumf %select_n3A_1297, %roll3A_1306 : vector<32x8x8x128xf32>
      %max3A_1308 = arith.maximumf %select_n3A_1297, %roll3A_1306 : vector<32x8x8x128xf32>
      %roll3A_1309 = arith.constant 4 : i32
      %roll3A_1310 = tpu.dynamic_rotate %max3A_1308 by %roll3A_1309 dim 2 : vector<32x8x8x128xf32>, i32 -> vector<32x8x8x128xf32>
      %broadcast_in_dim3A_1311 = vector.shape_cast %eq3A_1304 : vector<1x1x8x1xi1> to vector<1x1x8x1xi1>
      %broadcast_in_dim3A_1312 = vector.broadcast %broadcast_in_dim3A_1311 : vector<1x1x8x1xi1> to vector<32x8x8x128xi1>
      %select_n3A_1313 = arith.select %broadcast_in_dim3A_1312, %min3A_1307, %roll3A_1310 : vector<32x8x8x128xi1>, vector<32x8x8x128xf32>
      %iota3A_1314 = tpu.iota {dimensions = array<i32: 2>} : vector<1x1x8x1xi32>
      %and3A_1315 = arith.constant 2 : i32
      %and3A_1316 = vector.broadcast %and3A_1315 : i32 to vector<1x1x8x1xi32>
      %and3A_1317 = arith.andi %iota3A_1314, %and3A_1316 : vector<1x1x8x1xi32>
      %eq3A_1318 = arith.constant 0 : i32
      %eq3A_1319 = vector.broadcast %eq3A_1318 : i32 to vector<1x1x8x1xi32>
      %eq3A_1320 = arith.cmpi eq, %and3A_1317, %eq3A_1319 : vector<1x1x8x1xi32>
      %roll3A_1321 = arith.constant 6 : i32
      %roll3A_1322 = tpu.dynamic_rotate %select_n3A_1313 by %roll3A_1321 dim 2 : vector<32x8x8x128xf32>, i32 -> vector<32x8x8x128xf32>
      %min3A_1323 = arith.minimumf %select_n3A_1313, %roll3A_1322 : vector<32x8x8x128xf32>
      %max3A_1324 = arith.maximumf %select_n3A_1313, %roll3A_1322 : vector<32x8x8x128xf32>
      %roll3A_1325 = arith.constant 2 : i32
      %roll3A_1326 = tpu.dynamic_rotate %max3A_1324 by %roll3A_1325 dim 2 : vector<32x8x8x128xf32>, i32 -> vector<32x8x8x128xf32>
      %broadcast_in_dim3A_1327 = vector.shape_cast %eq3A_1320 : vector<1x1x8x1xi1> to vector<1x1x8x1xi1>
      %broadcast_in_dim3A_1328 = vector.broadcast %broadcast_in_dim3A_1327 : vector<1x1x8x1xi1> to vector<32x8x8x128xi1>
      %select_n3A_1329 = arith.select %broadcast_in_dim3A_1328, %min3A_1323, %roll3A_1326 : vector<32x8x8x128xi1>, vector<32x8x8x128xf32>
      %iota3A_1330 = tpu.iota {dimensions = array<i32: 2>} : vector<1x1x8x1xi32>
      %and3A_1331 = arith.constant 1 : i32
      %and3A_1332 = vector.broadcast %and3A_1331 : i32 to vector<1x1x8x1xi32>
      %and3A_1333 = arith.andi %iota3A_1330, %and3A_1332 : vector<1x1x8x1xi32>
      %eq3A_1334 = arith.constant 0 : i32
      %eq3A_1335 = vector.broadcast %eq3A_1334 : i32 to vector<1x1x8x1xi32>
      %eq3A_1336 = arith.cmpi eq, %and3A_1333, %eq3A_1335 : vector<1x1x8x1xi32>
      %roll3A_1337 = arith.constant 7 : i32
      %roll3A_1338 = tpu.dynamic_rotate %select_n3A_1329 by %roll3A_1337 dim 2 : vector<32x8x8x128xf32>, i32 -> vector<32x8x8x128xf32>
      %min3A_1339 = arith.minimumf %select_n3A_1329, %roll3A_1338 : vector<32x8x8x128xf32>
      %max3A_1340 = arith.maximumf %select_n3A_1329, %roll3A_1338 : vector<32x8x8x128xf32>
      %roll3A_1341 = arith.constant 1 : i32
      %roll3A_1342 = tpu.dynamic_rotate %max3A_1340 by %roll3A_1341 dim 2 : vector<32x8x8x128xf32>, i32 -> vector<32x8x8x128xf32>
      %broadcast_in_dim3A_1343 = vector.shape_cast %eq3A_1336 : vector<1x1x8x1xi1> to vector<1x1x8x1xi1>
      %broadcast_in_dim3A_1344 = vector.broadcast %broadcast_in_dim3A_1343 : vector<1x1x8x1xi1> to vector<32x8x8x128xi1>
      %select_n3A_1345 = arith.select %broadcast_in_dim3A_1344, %min3A_1339, %roll3A_1342 : vector<32x8x8x128xi1>, vector<32x8x8x128xf32>
      %iota3A_1346 = tpu.iota {dimensions = array<i32: 1>} : vector<1x8x1x1xi32>
      %and3A_1347 = arith.constant 4 : i32
      %and3A_1348 = vector.broadcast %and3A_1347 : i32 to vector<1x8x1x1xi32>
      %and3A_1349 = arith.andi %iota3A_1346, %and3A_1348 : vector<1x8x1x1xi32>
      %eq3A_1350 = arith.constant 0 : i32
      %eq3A_1351 = vector.broadcast %eq3A_1350 : i32 to vector<1x8x1x1xi32>
      %eq3A_1352 = arith.cmpi eq, %and3A_1349, %eq3A_1351 : vector<1x8x1x1xi32>
      %roll3A_1353 = arith.constant 4 : i32
      %roll3A_1354 = tpu.dynamic_rotate %select_n3A_1345 by %roll3A_1353 dim 1 : vector<32x8x8x128xf32>, i32 -> vector<32x8x8x128xf32>
      %min3A_1355 = arith.minimumf %select_n3A_1345, %roll3A_1354 : vector<32x8x8x128xf32>
      %max3A_1356 = arith.maximumf %select_n3A_1345, %roll3A_1354 : vector<32x8x8x128xf32>
      %roll3A_1357 = arith.constant 4 : i32
      %roll3A_1358 = tpu.dynamic_rotate %max3A_1356 by %roll3A_1357 dim 1 : vector<32x8x8x128xf32>, i32 -> vector<32x8x8x128xf32>
      %broadcast_in_dim3A_1359 = vector.shape_cast %eq3A_1352 : vector<1x8x1x1xi1> to vector<1x8x1x1xi1>
      %broadcast_in_dim3A_1360 = vector.broadcast %broadcast_in_dim3A_1359 : vector<1x8x1x1xi1> to vector<32x8x8x128xi1>
      %select_n3A_1361 = arith.select %broadcast_in_dim3A_1360, %min3A_1355, %roll3A_1358 : vector<32x8x8x128xi1>, vector<32x8x8x128xf32>
      %iota3A_1362 = tpu.iota {dimensions = array<i32: 1>} : vector<1x8x1x1xi32>
      %and3A_1363 = arith.constant 2 : i32
      %and3A_1364 = vector.broadcast %and3A_1363 : i32 to vector<1x8x1x1xi32>
      %and3A_1365 = arith.andi %iota3A_1362, %and3A_1364 : vector<1x8x1x1xi32>
      %eq3A_1366 = arith.constant 0 : i32
      %eq3A_1367 = vector.broadcast %eq3A_1366 : i32 to vector<1x8x1x1xi32>
      %eq3A_1368 = arith.cmpi eq, %and3A_1365, %eq3A_1367 : vector<1x8x1x1xi32>
      %roll3A_1369 = arith.constant 6 : i32
      %roll3A_1370 = tpu.dynamic_rotate %select_n3A_1361 by %roll3A_1369 dim 1 : vector<32x8x8x128xf32>, i32 -> vector<32x8x8x128xf32>
      %min3A_1371 = arith.minimumf %select_n3A_1361, %roll3A_1370 : vector<32x8x8x128xf32>
      %max3A_1372 = arith.maximumf %select_n3A_1361, %roll3A_1370 : vector<32x8x8x128xf32>
      %roll3A_1373 = arith.constant 2 : i32
      %roll3A_1374 = tpu.dynamic_rotate %max3A_1372 by %roll3A_1373 dim 1 : vector<32x8x8x128xf32>, i32 -> vector<32x8x8x128xf32>
      %broadcast_in_dim3A_1375 = vector.shape_cast %eq3A_1368 : vector<1x8x1x1xi1> to vector<1x8x1x1xi1>
      %broadcast_in_dim3A_1376 = vector.broadcast %broadcast_in_dim3A_1375 : vector<1x8x1x1xi1> to vector<32x8x8x128xi1>
      %select_n3A_1377 = arith.select %broadcast_in_dim3A_1376, %min3A_1371, %roll3A_1374 : vector<32x8x8x128xi1>, vector<32x8x8x128xf32>
      %iota3A_1378 = tpu.iota {dimensions = array<i32: 1>} : vector<1x8x1x1xi32>
      %and3A_1379 = arith.constant 1 : i32
      %and3A_1380 = vector.broadcast %and3A_1379 : i32 to vector<1x8x1x1xi32>
      %and3A_1381 = arith.andi %iota3A_1378, %and3A_1380 : vector<1x8x1x1xi32>
      %eq3A_1382 = arith.constant 0 : i32
      %eq3A_1383 = vector.broadcast %eq3A_1382 : i32 to vector<1x8x1x1xi32>
      %eq3A_1384 = arith.cmpi eq, %and3A_1381, %eq3A_1383 : vector<1x8x1x1xi32>
      %roll3A_1385 = arith.constant 7 : i32
      %roll3A_1386 = tpu.dynamic_rotate %select_n3A_1377 by %roll3A_1385 dim 1 : vector<32x8x8x128xf32>, i32 -> vector<32x8x8x128xf32>
      %min3A_1387 = arith.minimumf %select_n3A_1377, %roll3A_1386 : vector<32x8x8x128xf32>
      %max3A_1388 = arith.maximumf %select_n3A_1377, %roll3A_1386 : vector<32x8x8x128xf32>
      %roll3A_1389 = arith.constant 1 : i32
      %roll3A_1390 = tpu.dynamic_rotate %max3A_1388 by %roll3A_1389 dim 1 : vector<32x8x8x128xf32>, i32 -> vector<32x8x8x128xf32>
      %broadcast_in_dim3A_1391 = vector.shape_cast %eq3A_1384 : vector<1x8x1x1xi1> to vector<1x8x1x1xi1>
      %broadcast_in_dim3A_1392 = vector.broadcast %broadcast_in_dim3A_1391 : vector<1x8x1x1xi1> to vector<32x8x8x128xi1>
      %select_n3A_1393 = arith.select %broadcast_in_dim3A_1392, %min3A_1387, %roll3A_1390 : vector<32x8x8x128xi1>, vector<32x8x8x128xf32>
      %get3A_1394 = arith.constant 12 : index
      %get3A_1395 = arith.constant 0 : index
      %get3A_1396 = arith.constant 0 : index
      %get3A_1397 = arith.constant 0 : index
      %get3A_1398 = vector.load %arg3[%get3A_1394, %get3A_1395, %get3A_1396, %get3A_1397] : memref<13x8x8x128xi32, #tpu.memory_space<vmem>>, vector<1x8x8x128xi32>
      %get3A_1399 = vector.shape_cast %get3A_1398 : vector<1x8x8x128xi32> to vector<8x8x128xi32>
      %broadcast_in_dim3A_1400 = vector.shape_cast %get3A_1399 : vector<8x8x128xi32> to vector<1x8x8x128xi32>
      %bitcast_convert_type3A_1401 = tpu.bitcast %select_n3A_1393 : vector<32x8x8x128xf32> -> vector<32x8x8x128xi32>
      %xor3A_1402 = vector.broadcast %broadcast_in_dim3A_1400 : vector<1x8x8x128xi32> to vector<32x8x8x128xi32>
      %xor3A_1403 = arith.xori %bitcast_convert_type3A_1401, %xor3A_1402 : vector<32x8x8x128xi32>
      %bitcast_convert_type3A_1404 = tpu.bitcast %xor3A_1403 : vector<32x8x8x128xi32> -> vector<32x8x8x128xf32>
      %iota3A_1405 = tpu.iota {dimensions = array<i32: 3>} : vector<1x1x1x128xi32>
      %and3A_1406 = arith.constant 64 : i32
      %and3A_1407 = vector.broadcast %and3A_1406 : i32 to vector<1x1x1x128xi32>
      %and3A_1408 = arith.andi %iota3A_1405, %and3A_1407 : vector<1x1x1x128xi32>
      %eq3A_1409 = arith.constant 0 : i32
      %eq3A_1410 = vector.broadcast %eq3A_1409 : i32 to vector<1x1x1x128xi32>
      %eq3A_1411 = arith.cmpi eq, %and3A_1408, %eq3A_1410 : vector<1x1x1x128xi32>
      %roll3A_1412 = arith.constant 64 : i32
      %roll3A_1413 = tpu.dynamic_rotate %bitcast_convert_type3A_1404 by %roll3A_1412 dim 3 : vector<32x8x8x128xf32>, i32 -> vector<32x8x8x128xf32>
      %min3A_1414 = arith.minimumf %bitcast_convert_type3A_1404, %roll3A_1413 : vector<32x8x8x128xf32>
      %max3A_1415 = arith.maximumf %bitcast_convert_type3A_1404, %roll3A_1413 : vector<32x8x8x128xf32>
      %roll3A_1416 = arith.constant 64 : i32
      %roll3A_1417 = tpu.dynamic_rotate %max3A_1415 by %roll3A_1416 dim 3 : vector<32x8x8x128xf32>, i32 -> vector<32x8x8x128xf32>
      %broadcast_in_dim3A_1418 = vector.shape_cast %eq3A_1411 : vector<1x1x1x128xi1> to vector<1x1x1x128xi1>
      %broadcast_in_dim3A_1419 = vector.broadcast %broadcast_in_dim3A_1418 : vector<1x1x1x128xi1> to vector<32x8x8x128xi1>
      %select_n3A_1420 = arith.select %broadcast_in_dim3A_1419, %min3A_1414, %roll3A_1417 : vector<32x8x8x128xi1>, vector<32x8x8x128xf32>
      %iota3A_1421 = tpu.iota {dimensions = array<i32: 3>} : vector<1x1x1x128xi32>
      %and3A_1422 = arith.constant 32 : i32
      %and3A_1423 = vector.broadcast %and3A_1422 : i32 to vector<1x1x1x128xi32>
      %and3A_1424 = arith.andi %iota3A_1421, %and3A_1423 : vector<1x1x1x128xi32>
      %eq3A_1425 = arith.constant 0 : i32
      %eq3A_1426 = vector.broadcast %eq3A_1425 : i32 to vector<1x1x1x128xi32>
      %eq3A_1427 = arith.cmpi eq, %and3A_1424, %eq3A_1426 : vector<1x1x1x128xi32>
      %roll3A_1428 = arith.constant 96 : i32
      %roll3A_1429 = tpu.dynamic_rotate %select_n3A_1420 by %roll3A_1428 dim 3 : vector<32x8x8x128xf32>, i32 -> vector<32x8x8x128xf32>
      %min3A_1430 = arith.minimumf %select_n3A_1420, %roll3A_1429 : vector<32x8x8x128xf32>
      %max3A_1431 = arith.maximumf %select_n3A_1420, %roll3A_1429 : vector<32x8x8x128xf32>
      %roll3A_1432 = arith.constant 32 : i32
      %roll3A_1433 = tpu.dynamic_rotate %max3A_1431 by %roll3A_1432 dim 3 : vector<32x8x8x128xf32>, i32 -> vector<32x8x8x128xf32>
      %broadcast_in_dim3A_1434 = vector.shape_cast %eq3A_1427 : vector<1x1x1x128xi1> to vector<1x1x1x128xi1>
      %broadcast_in_dim3A_1435 = vector.broadcast %broadcast_in_dim3A_1434 : vector<1x1x1x128xi1> to vector<32x8x8x128xi1>
      %select_n3A_1436 = arith.select %broadcast_in_dim3A_1435, %min3A_1430, %roll3A_1433 : vector<32x8x8x128xi1>, vector<32x8x8x128xf32>
      %iota3A_1437 = tpu.iota {dimensions = array<i32: 3>} : vector<1x1x1x128xi32>
      %and3A_1438 = arith.constant 16 : i32
      %and3A_1439 = vector.broadcast %and3A_1438 : i32 to vector<1x1x1x128xi32>
      %and3A_1440 = arith.andi %iota3A_1437, %and3A_1439 : vector<1x1x1x128xi32>
      %eq3A_1441 = arith.constant 0 : i32
      %eq3A_1442 = vector.broadcast %eq3A_1441 : i32 to vector<1x1x1x128xi32>
      %eq3A_1443 = arith.cmpi eq, %and3A_1440, %eq3A_1442 : vector<1x1x1x128xi32>
      %roll3A_1444 = arith.constant 112 : i32
      %roll3A_1445 = tpu.dynamic_rotate %select_n3A_1436 by %roll3A_1444 dim 3 : vector<32x8x8x128xf32>, i32 -> vector<32x8x8x128xf32>
      %min3A_1446 = arith.minimumf %select_n3A_1436, %roll3A_1445 : vector<32x8x8x128xf32>
      %max3A_1447 = arith.maximumf %select_n3A_1436, %roll3A_1445 : vector<32x8x8x128xf32>
      %roll3A_1448 = arith.constant 16 : i32
      %roll3A_1449 = tpu.dynamic_rotate %max3A_1447 by %roll3A_1448 dim 3 : vector<32x8x8x128xf32>, i32 -> vector<32x8x8x128xf32>
      %broadcast_in_dim3A_1450 = vector.shape_cast %eq3A_1443 : vector<1x1x1x128xi1> to vector<1x1x1x128xi1>
      %broadcast_in_dim3A_1451 = vector.broadcast %broadcast_in_dim3A_1450 : vector<1x1x1x128xi1> to vector<32x8x8x128xi1>
      %select_n3A_1452 = arith.select %broadcast_in_dim3A_1451, %min3A_1446, %roll3A_1449 : vector<32x8x8x128xi1>, vector<32x8x8x128xf32>
      %iota3A_1453 = tpu.iota {dimensions = array<i32: 3>} : vector<1x1x1x128xi32>
      %and3A_1454 = arith.constant 8 : i32
      %and3A_1455 = vector.broadcast %and3A_1454 : i32 to vector<1x1x1x128xi32>
      %and3A_1456 = arith.andi %iota3A_1453, %and3A_1455 : vector<1x1x1x128xi32>
      %eq3A_1457 = arith.constant 0 : i32
      %eq3A_1458 = vector.broadcast %eq3A_1457 : i32 to vector<1x1x1x128xi32>
      %eq3A_1459 = arith.cmpi eq, %and3A_1456, %eq3A_1458 : vector<1x1x1x128xi32>
      %roll3A_1460 = arith.constant 120 : i32
      %roll3A_1461 = tpu.dynamic_rotate %select_n3A_1452 by %roll3A_1460 dim 3 : vector<32x8x8x128xf32>, i32 -> vector<32x8x8x128xf32>
      %min3A_1462 = arith.minimumf %select_n3A_1452, %roll3A_1461 : vector<32x8x8x128xf32>
      %max3A_1463 = arith.maximumf %select_n3A_1452, %roll3A_1461 : vector<32x8x8x128xf32>
      %roll3A_1464 = arith.constant 8 : i32
      %roll3A_1465 = tpu.dynamic_rotate %max3A_1463 by %roll3A_1464 dim 3 : vector<32x8x8x128xf32>, i32 -> vector<32x8x8x128xf32>
      %broadcast_in_dim3A_1466 = vector.shape_cast %eq3A_1459 : vector<1x1x1x128xi1> to vector<1x1x1x128xi1>
      %broadcast_in_dim3A_1467 = vector.broadcast %broadcast_in_dim3A_1466 : vector<1x1x1x128xi1> to vector<32x8x8x128xi1>
      %select_n3A_1468 = arith.select %broadcast_in_dim3A_1467, %min3A_1462, %roll3A_1465 : vector<32x8x8x128xi1>, vector<32x8x8x128xf32>
      %iota3A_1469 = tpu.iota {dimensions = array<i32: 3>} : vector<1x1x1x128xi32>
      %and3A_1470 = arith.constant 4 : i32
      %and3A_1471 = vector.broadcast %and3A_1470 : i32 to vector<1x1x1x128xi32>
      %and3A_1472 = arith.andi %iota3A_1469, %and3A_1471 : vector<1x1x1x128xi32>
      %eq3A_1473 = arith.constant 0 : i32
      %eq3A_1474 = vector.broadcast %eq3A_1473 : i32 to vector<1x1x1x128xi32>
      %eq3A_1475 = arith.cmpi eq, %and3A_1472, %eq3A_1474 : vector<1x1x1x128xi32>
      %roll3A_1476 = arith.constant 124 : i32
      %roll3A_1477 = tpu.dynamic_rotate %select_n3A_1468 by %roll3A_1476 dim 3 : vector<32x8x8x128xf32>, i32 -> vector<32x8x8x128xf32>
      %min3A_1478 = arith.minimumf %select_n3A_1468, %roll3A_1477 : vector<32x8x8x128xf32>
      %max3A_1479 = arith.maximumf %select_n3A_1468, %roll3A_1477 : vector<32x8x8x128xf32>
      %roll3A_1480 = arith.constant 4 : i32
      %roll3A_1481 = tpu.dynamic_rotate %max3A_1479 by %roll3A_1480 dim 3 : vector<32x8x8x128xf32>, i32 -> vector<32x8x8x128xf32>
      %broadcast_in_dim3A_1482 = vector.shape_cast %eq3A_1475 : vector<1x1x1x128xi1> to vector<1x1x1x128xi1>
      %broadcast_in_dim3A_1483 = vector.broadcast %broadcast_in_dim3A_1482 : vector<1x1x1x128xi1> to vector<32x8x8x128xi1>
      %select_n3A_1484 = arith.select %broadcast_in_dim3A_1483, %min3A_1478, %roll3A_1481 : vector<32x8x8x128xi1>, vector<32x8x8x128xf32>
      %iota3A_1485 = tpu.iota {dimensions = array<i32: 3>} : vector<1x1x1x128xi32>
      %and3A_1486 = arith.constant 2 : i32
      %and3A_1487 = vector.broadcast %and3A_1486 : i32 to vector<1x1x1x128xi32>
      %and3A_1488 = arith.andi %iota3A_1485, %and3A_1487 : vector<1x1x1x128xi32>
      %eq3A_1489 = arith.constant 0 : i32
      %eq3A_1490 = vector.broadcast %eq3A_1489 : i32 to vector<1x1x1x128xi32>
      %eq3A_1491 = arith.cmpi eq, %and3A_1488, %eq3A_1490 : vector<1x1x1x128xi32>
      %roll3A_1492 = arith.constant 126 : i32
      %roll3A_1493 = tpu.dynamic_rotate %select_n3A_1484 by %roll3A_1492 dim 3 : vector<32x8x8x128xf32>, i32 -> vector<32x8x8x128xf32>
      %min3A_1494 = arith.minimumf %select_n3A_1484, %roll3A_1493 : vector<32x8x8x128xf32>
      %max3A_1495 = arith.maximumf %select_n3A_1484, %roll3A_1493 : vector<32x8x8x128xf32>
      %roll3A_1496 = arith.constant 2 : i32
      %roll3A_1497 = tpu.dynamic_rotate %max3A_1495 by %roll3A_1496 dim 3 : vector<32x8x8x128xf32>, i32 -> vector<32x8x8x128xf32>
      %broadcast_in_dim3A_1498 = vector.shape_cast %eq3A_1491 : vector<1x1x1x128xi1> to vector<1x1x1x128xi1>
      %broadcast_in_dim3A_1499 = vector.broadcast %broadcast_in_dim3A_1498 : vector<1x1x1x128xi1> to vector<32x8x8x128xi1>
      %select_n3A_1500 = arith.select %broadcast_in_dim3A_1499, %min3A_1494, %roll3A_1497 : vector<32x8x8x128xi1>, vector<32x8x8x128xf32>
      %iota3A_1501 = tpu.iota {dimensions = array<i32: 3>} : vector<1x1x1x128xi32>
      %and3A_1502 = arith.constant 1 : i32
      %and3A_1503 = vector.broadcast %and3A_1502 : i32 to vector<1x1x1x128xi32>
      %and3A_1504 = arith.andi %iota3A_1501, %and3A_1503 : vector<1x1x1x128xi32>
      %eq3A_1505 = arith.constant 0 : i32
      %eq3A_1506 = vector.broadcast %eq3A_1505 : i32 to vector<1x1x1x128xi32>
      %eq3A_1507 = arith.cmpi eq, %and3A_1504, %eq3A_1506 : vector<1x1x1x128xi32>
      %roll3A_1508 = arith.constant 127 : i32
      %roll3A_1509 = tpu.dynamic_rotate %select_n3A_1500 by %roll3A_1508 dim 3 : vector<32x8x8x128xf32>, i32 -> vector<32x8x8x128xf32>
      %min3A_1510 = arith.minimumf %select_n3A_1500, %roll3A_1509 : vector<32x8x8x128xf32>
      %max3A_1511 = arith.maximumf %select_n3A_1500, %roll3A_1509 : vector<32x8x8x128xf32>
      %roll3A_1512 = arith.constant 1 : i32
      %roll3A_1513 = tpu.dynamic_rotate %max3A_1511 by %roll3A_1512 dim 3 : vector<32x8x8x128xf32>, i32 -> vector<32x8x8x128xf32>
      %broadcast_in_dim3A_1514 = vector.shape_cast %eq3A_1507 : vector<1x1x1x128xi1> to vector<1x1x1x128xi1>
      %broadcast_in_dim3A_1515 = vector.broadcast %broadcast_in_dim3A_1514 : vector<1x1x1x128xi1> to vector<32x8x8x128xi1>
      %select_n3A_1516 = arith.select %broadcast_in_dim3A_1515, %min3A_1510, %roll3A_1513 : vector<32x8x8x128xi1>, vector<32x8x8x128xf32>
      %iota3A_1517 = tpu.iota {dimensions = array<i32: 2>} : vector<1x1x8x1xi32>
      %and3A_1518 = arith.constant 4 : i32
      %and3A_1519 = vector.broadcast %and3A_1518 : i32 to vector<1x1x8x1xi32>
      %and3A_1520 = arith.andi %iota3A_1517, %and3A_1519 : vector<1x1x8x1xi32>
      %eq3A_1521 = arith.constant 0 : i32
      %eq3A_1522 = vector.broadcast %eq3A_1521 : i32 to vector<1x1x8x1xi32>
      %eq3A_1523 = arith.cmpi eq, %and3A_1520, %eq3A_1522 : vector<1x1x8x1xi32>
      %roll3A_1524 = arith.constant 4 : i32
      %roll3A_1525 = tpu.dynamic_rotate %select_n3A_1516 by %roll3A_1524 dim 2 : vector<32x8x8x128xf32>, i32 -> vector<32x8x8x128xf32>
      %min3A_1526 = arith.minimumf %select_n3A_1516, %roll3A_1525 : vector<32x8x8x128xf32>
      %max3A_1527 = arith.maximumf %select_n3A_1516, %roll3A_1525 : vector<32x8x8x128xf32>
      %roll3A_1528 = arith.constant 4 : i32
      %roll3A_1529 = tpu.dynamic_rotate %max3A_1527 by %roll3A_1528 dim 2 : vector<32x8x8x128xf32>, i32 -> vector<32x8x8x128xf32>
      %broadcast_in_dim3A_1530 = vector.shape_cast %eq3A_1523 : vector<1x1x8x1xi1> to vector<1x1x8x1xi1>
      %broadcast_in_dim3A_1531 = vector.broadcast %broadcast_in_dim3A_1530 : vector<1x1x8x1xi1> to vector<32x8x8x128xi1>
      %select_n3A_1532 = arith.select %broadcast_in_dim3A_1531, %min3A_1526, %roll3A_1529 : vector<32x8x8x128xi1>, vector<32x8x8x128xf32>
      %iota3A_1533 = tpu.iota {dimensions = array<i32: 2>} : vector<1x1x8x1xi32>
      %and3A_1534 = arith.constant 2 : i32
      %and3A_1535 = vector.broadcast %and3A_1534 : i32 to vector<1x1x8x1xi32>
      %and3A_1536 = arith.andi %iota3A_1533, %and3A_1535 : vector<1x1x8x1xi32>
      %eq3A_1537 = arith.constant 0 : i32
      %eq3A_1538 = vector.broadcast %eq3A_1537 : i32 to vector<1x1x8x1xi32>
      %eq3A_1539 = arith.cmpi eq, %and3A_1536, %eq3A_1538 : vector<1x1x8x1xi32>
      %roll3A_1540 = arith.constant 6 : i32
      %roll3A_1541 = tpu.dynamic_rotate %select_n3A_1532 by %roll3A_1540 dim 2 : vector<32x8x8x128xf32>, i32 -> vector<32x8x8x128xf32>
      %min3A_1542 = arith.minimumf %select_n3A_1532, %roll3A_1541 : vector<32x8x8x128xf32>
      %max3A_1543 = arith.maximumf %select_n3A_1532, %roll3A_1541 : vector<32x8x8x128xf32>
      %roll3A_1544 = arith.constant 2 : i32
      %roll3A_1545 = tpu.dynamic_rotate %max3A_1543 by %roll3A_1544 dim 2 : vector<32x8x8x128xf32>, i32 -> vector<32x8x8x128xf32>
      %broadcast_in_dim3A_1546 = vector.shape_cast %eq3A_1539 : vector<1x1x8x1xi1> to vector<1x1x8x1xi1>
      %broadcast_in_dim3A_1547 = vector.broadcast %broadcast_in_dim3A_1546 : vector<1x1x8x1xi1> to vector<32x8x8x128xi1>
      %select_n3A_1548 = arith.select %broadcast_in_dim3A_1547, %min3A_1542, %roll3A_1545 : vector<32x8x8x128xi1>, vector<32x8x8x128xf32>
      %iota3A_1549 = tpu.iota {dimensions = array<i32: 2>} : vector<1x1x8x1xi32>
      %and3A_1550 = arith.constant 1 : i32
      %and3A_1551 = vector.broadcast %and3A_1550 : i32 to vector<1x1x8x1xi32>
      %and3A_1552 = arith.andi %iota3A_1549, %and3A_1551 : vector<1x1x8x1xi32>
      %eq3A_1553 = arith.constant 0 : i32
      %eq3A_1554 = vector.broadcast %eq3A_1553 : i32 to vector<1x1x8x1xi32>
      %eq3A_1555 = arith.cmpi eq, %and3A_1552, %eq3A_1554 : vector<1x1x8x1xi32>
      %roll3A_1556 = arith.constant 7 : i32
      %roll3A_1557 = tpu.dynamic_rotate %select_n3A_1548 by %roll3A_1556 dim 2 : vector<32x8x8x128xf32>, i32 -> vector<32x8x8x128xf32>
      %min3A_1558 = arith.minimumf %select_n3A_1548, %roll3A_1557 : vector<32x8x8x128xf32>
      %max3A_1559 = arith.maximumf %select_n3A_1548, %roll3A_1557 : vector<32x8x8x128xf32>
      %roll3A_1560 = arith.constant 1 : i32
      %roll3A_1561 = tpu.dynamic_rotate %max3A_1559 by %roll3A_1560 dim 2 : vector<32x8x8x128xf32>, i32 -> vector<32x8x8x128xf32>
      %broadcast_in_dim3A_1562 = vector.shape_cast %eq3A_1555 : vector<1x1x8x1xi1> to vector<1x1x8x1xi1>
      %broadcast_in_dim3A_1563 = vector.broadcast %broadcast_in_dim3A_1562 : vector<1x1x8x1xi1> to vector<32x8x8x128xi1>
      %select_n3A_1564 = arith.select %broadcast_in_dim3A_1563, %min3A_1558, %roll3A_1561 : vector<32x8x8x128xi1>, vector<32x8x8x128xf32>
      %iota3A_1565 = tpu.iota {dimensions = array<i32: 1>} : vector<1x8x1x1xi32>
      %and3A_1566 = arith.constant 4 : i32
      %and3A_1567 = vector.broadcast %and3A_1566 : i32 to vector<1x8x1x1xi32>
      %and3A_1568 = arith.andi %iota3A_1565, %and3A_1567 : vector<1x8x1x1xi32>
      %eq3A_1569 = arith.constant 0 : i32
      %eq3A_1570 = vector.broadcast %eq3A_1569 : i32 to vector<1x8x1x1xi32>
      %eq3A_1571 = arith.cmpi eq, %and3A_1568, %eq3A_1570 : vector<1x8x1x1xi32>
      %roll3A_1572 = arith.constant 4 : i32
      %roll3A_1573 = tpu.dynamic_rotate %select_n3A_1564 by %roll3A_1572 dim 1 : vector<32x8x8x128xf32>, i32 -> vector<32x8x8x128xf32>
      %min3A_1574 = arith.minimumf %select_n3A_1564, %roll3A_1573 : vector<32x8x8x128xf32>
      %max3A_1575 = arith.maximumf %select_n3A_1564, %roll3A_1573 : vector<32x8x8x128xf32>
      %roll3A_1576 = arith.constant 4 : i32
      %roll3A_1577 = tpu.dynamic_rotate %max3A_1575 by %roll3A_1576 dim 1 : vector<32x8x8x128xf32>, i32 -> vector<32x8x8x128xf32>
      %broadcast_in_dim3A_1578 = vector.shape_cast %eq3A_1571 : vector<1x8x1x1xi1> to vector<1x8x1x1xi1>
      %broadcast_in_dim3A_1579 = vector.broadcast %broadcast_in_dim3A_1578 : vector<1x8x1x1xi1> to vector<32x8x8x128xi1>
      %select_n3A_1580 = arith.select %broadcast_in_dim3A_1579, %min3A_1574, %roll3A_1577 : vector<32x8x8x128xi1>, vector<32x8x8x128xf32>
      %iota3A_1581 = tpu.iota {dimensions = array<i32: 1>} : vector<1x8x1x1xi32>
      %and3A_1582 = arith.constant 2 : i32
      %and3A_1583 = vector.broadcast %and3A_1582 : i32 to vector<1x8x1x1xi32>
      %and3A_1584 = arith.andi %iota3A_1581, %and3A_1583 : vector<1x8x1x1xi32>
      %eq3A_1585 = arith.constant 0 : i32
      %eq3A_1586 = vector.broadcast %eq3A_1585 : i32 to vector<1x8x1x1xi32>
      %eq3A_1587 = arith.cmpi eq, %and3A_1584, %eq3A_1586 : vector<1x8x1x1xi32>
      %roll3A_1588 = arith.constant 6 : i32
      %roll3A_1589 = tpu.dynamic_rotate %select_n3A_1580 by %roll3A_1588 dim 1 : vector<32x8x8x128xf32>, i32 -> vector<32x8x8x128xf32>
      %min3A_1590 = arith.minimumf %select_n3A_1580, %roll3A_1589 : vector<32x8x8x128xf32>
      %max3A_1591 = arith.maximumf %select_n3A_1580, %roll3A_1589 : vector<32x8x8x128xf32>
      %roll3A_1592 = arith.constant 2 : i32
      %roll3A_1593 = tpu.dynamic_rotate %max3A_1591 by %roll3A_1592 dim 1 : vector<32x8x8x128xf32>, i32 -> vector<32x8x8x128xf32>
      %broadcast_in_dim3A_1594 = vector.shape_cast %eq3A_1587 : vector<1x8x1x1xi1> to vector<1x8x1x1xi1>
      %broadcast_in_dim3A_1595 = vector.broadcast %broadcast_in_dim3A_1594 : vector<1x8x1x1xi1> to vector<32x8x8x128xi1>
      %select_n3A_1596 = arith.select %broadcast_in_dim3A_1595, %min3A_1590, %roll3A_1593 : vector<32x8x8x128xi1>, vector<32x8x8x128xf32>
      %iota3A_1597 = tpu.iota {dimensions = array<i32: 1>} : vector<1x8x1x1xi32>
      %and3A_1598 = arith.constant 1 : i32
      %and3A_1599 = vector.broadcast %and3A_1598 : i32 to vector<1x8x1x1xi32>
      %and3A_1600 = arith.andi %iota3A_1597, %and3A_1599 : vector<1x8x1x1xi32>
      %eq3A_1601 = arith.constant 0 : i32
      %eq3A_1602 = vector.broadcast %eq3A_1601 : i32 to vector<1x8x1x1xi32>
      %eq3A_1603 = arith.cmpi eq, %and3A_1600, %eq3A_1602 : vector<1x8x1x1xi32>
      %roll3A_1604 = arith.constant 7 : i32
      %roll3A_1605 = tpu.dynamic_rotate %select_n3A_1596 by %roll3A_1604 dim 1 : vector<32x8x8x128xf32>, i32 -> vector<32x8x8x128xf32>
      %min3A_1606 = arith.minimumf %select_n3A_1596, %roll3A_1605 : vector<32x8x8x128xf32>
      %max3A_1607 = arith.maximumf %select_n3A_1596, %roll3A_1605 : vector<32x8x8x128xf32>
      %roll3A_1608 = arith.constant 1 : i32
      %roll3A_1609 = tpu.dynamic_rotate %max3A_1607 by %roll3A_1608 dim 1 : vector<32x8x8x128xf32>, i32 -> vector<32x8x8x128xf32>
      %broadcast_in_dim3A_1610 = vector.shape_cast %eq3A_1603 : vector<1x8x1x1xi1> to vector<1x8x1x1xi1>
      %broadcast_in_dim3A_1611 = vector.broadcast %broadcast_in_dim3A_1610 : vector<1x8x1x1xi1> to vector<32x8x8x128xi1>
      %select_n3A_1612 = arith.select %broadcast_in_dim3A_1611, %min3A_1606, %roll3A_1609 : vector<32x8x8x128xi1>, vector<32x8x8x128xf32>
      %slice3A = vector.extract_strided_slice %select_n3A_1612 {offsets = [0, 0, 0, 0], sizes = [16, 8, 8, 128], strides = [1, 1, 1, 1]} : vector<32x8x8x128xf32> to vector<16x8x8x128xf32>
      %slice3A_1613 = vector.extract_strided_slice %select_n3A_1612 {offsets = [16, 0, 0, 0], sizes = [16, 8, 8, 128], strides = [1, 1, 1, 1]} : vector<32x8x8x128xf32> to vector<16x8x8x128xf32>
      %sub3A = arith.subf %slice3A, %slice3A_1613 : vector<16x8x8x128xf32>
      %mul3A_1614 = arith.mulf %sub3A, %sub3A : vector<16x8x8x128xf32>
      %reduce_sum3A = vector.shape_cast %mul3A_1614 : vector<16x8x8x128xf32> to vector<1x16x8x8x128xf32>
      %reduce_sum3A_1615 = arith.constant dense<0.000000e+00> : vector<1xf32>
      %reduce_sum3A_1616 = vector.multi_reduction <add>, %reduce_sum3A, %reduce_sum3A_1615 [1, 2, 3, 4] : vector<1x16x8x8x128xf32> to vector<1xf32>
      %reduce_sum3A_1617 = vector.shape_cast %reduce_sum3A_1616 : vector<1xf32> to vector<1x1x1x1x1xf32>
      %reduce_sum3A_1618 = vector.extract %reduce_sum3A_1617[0, 0, 0, 0, 0] : f32 from vector<1x1x1x1x1xf32>
      %add3A = arith.addf %scan3A_11, %reduce_sum3A_1618 : f32
      scf.yield %add3A : f32
    }
    %scan3A_5 = arith.constant 8 : i32
    %div3A = arith.constant 0x4C000000 : f32
    %div3A_6 = arith.divf %scan3A_4, %div3A : f32
    %swap3A = arith.constant 0 : index
    %swap3A_7 = arith.constant 0 : index
    %swap3A_8 = arith.constant 0 : index
    %swap3A_9 = memref.load %arg5[%swap3A, %swap3A_7, %swap3A_8] : memref<1x1x1xf32, #tpu.memory_space<smem>>
    memref.store %div3A_6, %arg5[%swap3A, %swap3A_7, %swap3A_8] : memref<1x1x1xf32, #tpu.memory_space<smem>>
    return
  }
  func.func @transform_0(%arg0: i32) -> (i32, i32, i32, i32) {
    %c0_i32 = arith.constant 0 : i32
    %c0_i32_0 = arith.constant 0 : i32
    %c0_i32_1 = arith.constant 0 : i32
    %c0_i32_2 = arith.constant 0 : i32
    return %arg0, %c0_i32, %c0_i32_0, %c0_i32_1 : i32, i32, i32, i32
  }
  func.func @transform_1(%arg0: i32) -> (i32, i32, i32, i32) {
    %c0_i32 = arith.constant 0 : i32
    %c0_i32_0 = arith.constant 0 : i32
    %c0_i32_1 = arith.constant 0 : i32
    %c0_i32_2 = arith.constant 0 : i32
    return %arg0, %c0_i32, %c0_i32_0, %c0_i32_1 : i32, i32, i32, i32
  }
  func.func @transform_2(%arg0: i32) -> (i32, i32, i32, i32) {
    %c0_i32 = arith.constant 0 : i32
    %c0_i32_0 = arith.constant 0 : i32
    %c0_i32_1 = arith.constant 0 : i32
    %c0_i32_2 = arith.constant 0 : i32
    %c0_i32_3 = arith.constant 0 : i32
    return %c0_i32, %c0_i32_0, %c0_i32_1, %c0_i32_2 : i32, i32, i32, i32
  }
  func.func @transform_3(%arg0: i32) -> (i32, i32, i32) {
    %c0_i32 = arith.constant 0 : i32
    %c0_i32_0 = arith.constant 0 : i32
    %c0_i32_1 = arith.constant 0 : i32
    %c0_i32_2 = arith.constant 0 : i32
    return %c0_i32, %c0_i32_0, %c0_i32_1 : i32, i32, i32
  }
  func.func @transform_4(%arg0: i32) -> (i32, i32, i32) {
    %c0_i32 = arith.constant 0 : i32
    %c0_i32_0 = arith.constant 0 : i32
    %c0_i32_1 = arith.constant 0 : i32
    return %arg0, %c0_i32, %c0_i32_0 : i32, i32, i32
  }
}

</mosaic_0001>

<sc_bundles>
// kernel: sparse-core-data-format-call.1.cloned.1.call-start
scs
called_computation.1_lowered:
.L_overlay_start_0:
0x0: {  	s2 =	sld [smem:$0x3FD9]  }
0x1: {  	s3 =	sld [smem:$0x3FFE];
	_ =	sdelay $0x1  }
0x2: {  	s1 =	srdreg.scid  }
0x3: {  	s0 =	sand.u32 $0x1, s1  }
0x4: {  	s18 =	sshll.u32 s0, $0xA;
	s2 =	sadd.s32 s3, s2  }
0x5: {  	s2 =	sadd.s32 s2, s18  }
0x6: {  	[smem:$0x3FC6] =	sst s2  }
0x7: {  	_ = 	snop  }
0x8: {  	s2 =	sld [smem:$0x3FC9];
	(tm) =	ssettm $0x1  }
0x9: {  	s19 =	sld [smem:$0x3FFB];
	_ =	sdelay $0x3  }
0xa: {  	_ =	strace s19  }
0xb: {  	s3 =	sld [smem:$0x3FFC];
	_ =	sdelay $0x3  }
0xc: {  	_ =	strace s3  }
0xd: {  	s3 =	sld [smem:$0x3FFD];
	_ =	sdelay $0x3  }
0xe: {  	_ =	strace s3  }
0xf: {  	_ =	strace $0x8FFFFFFF  }
0x10: {  	s20 =	sld [smem:$0x3FDB];
	_ =	sdelay $0x1  }
0x11: {  	s4 =	simm.s32 $_scs_section_size  }
0x12: {  	s5 =	simm.s32 $_size__tile_overlayer_lowered;
	s6 =	simm.s32 $_tile_overlayer_lowered  }
0x13: {  	s23 =	simm.s32 $0x1BFF;
	s22 =	sshll.u32 s6, $0x1;
	s3 =	sadd.s32 s4, s20  }
0x14: {  	s7 =	simm.s32 $0x0;
	s21 =	sshll.u32 s5, $0x1;
	s5 =	sadd.s32 s22, s3  }
0x15: {  	[timem:s7], [sflag:s23] =	dma.local [hbm:s5], s21  }
0x16: {  	_ =	swait.ge [sflag:s23], s21  }
0x17: {  	s4 =	ssub.s32 $0x0, s21;
	[sflag:s23] =	ssyncset.done $0x0  }
0x18: {  	[sflag:s23] =	ssyncadd.s32 s4;
	_ =	sdelay $0x1  }
0x19: {  	s24 =	simm.s32 $0x1B8B  }
0x1a: {  	_ =	swait.ge [sflag:s24], $0x1  }
0x1b: {  	[sflag:s24] =	ssyncset.done $0x0  }
0x1c: {  	s26 =	simm.s32 $0x1B8E;
	s25 =	sld [smem:$0x3FFE];
	[sflag:s24] =	ssyncadd.s32 $0xFFFFFFFF  }
0x1d: {  	s27 =	simm.s32 $execute0_lowered;
	[smem:$0x3FD2] =	sst s26  }
0x1e: {  	s5 =	sshll.u32 s27, $0x1;
	_ =	strace $0x80000046;
	[dreg:$0x1] =	wrdreg $0xFFFFFFFF  }
0x1f: {  	s28 =	simm.s32 $_size_execute0_lowered;
	s3 =	sadd.s32 s3, s5;
	[dreg:$0x0] =	wrdreg $0x0  }
0x20: {  	s5 =	sshll.u32 s28, $0x1;
	[dreg:$0x2] =	wrdreg s3  }
0x21: {  	[dreg:$0x3] =	wrdreg s5  }
0x22: {  	[dreg:$0x4] =	wrdreg $0xC0  }
0x23: {  	_ =	task [dreg:s7], $0x5FFFF  }
0x24: {  	[dreg:$0x1] =	wrdreg $0xFFFFFFFF  }
0x25: {  	[dreg:$0x0] =	wrdreg $0x60  }
0x26: {  	[dreg:$0x2] =	wrdreg s2  }
0x27: {  	[dreg:$0x3] =	wrdreg s25  }
0x28: {  	[dreg:$0x4] =	wrdreg $0xA  }
0x29: {  	_ =	task.clear_ibuf [dreg:s7], $0x5FFFF;
	_ =	strace $0x90000046  }
0x2a: {  	s29 =	simm.s32 $0xA;
	_ =	strace $0x80000048  }
0x2b: {  	_ =	swait.ge [sflag:s29], $0x1  }
0x2c: {  	[sflag:s29] =	ssyncadd.s32 $0xFFFFFFFF  }
0x2d: {  	_ =	strace $0x90000048  }
0x2e: {  	_ =	sfence  }
0x2f: {  	s30 =	sld [smem:$0x0];
	_ =	sdelay $0x2  }
0x30: {  	s31 =	sshll.u32 s1, $0xD;
	s1 =	sshrl.u32 s1, $0x2  }
0x31: {  	s3 =	sand.u32 $0x4000, s31;
	s1 =	sadd.s32 s1, s30  }
0x32: {  	s0 =	sor.u32 s3, s0;
	s1 =	sshll.u32 s1, $0x11  }
0x33: {  	s0 =	sor.u32 s1, s0  }
0x34: {  	s0 =	sadd.s32 $0x8F2B, s0  }
0x35: {  	[sflag:s0] =	ssyncadd.remote.s32 $0x1  }
0x36: {  	_ =	sfence.sel $0xFFFF  }
0x37: {  	[dreg:$0x0] =	wrdreg $0xFFFFFFFF;
	(pc) =	sbr.abs _section_cstart, $3  }
0x38: {  	[dreg:$0x1] =	wrdreg $0xFFFFFFFF  }
0x39: {  	_ =	task.clear_ibuf [dreg:s7], $0x2FFFF;
	_ =	strace $0x9FFFFFFF  }
0x3a: {  	(tm) =	ssettm $0x7FFFFFFF  }
0x3b: {  	_ =	shalt  }
tec
execute0_lowered:
.L_overlay_start_1:
0x0: {  	(tag) =	ssettag $0x1  }
0x1: {  	s2 =	rddreg [dreg:$0x0]  }
0x2: {  	s1 =	rddreg [dreg:$0x1]  }
0x3: {  	s0 =	rddreg [dreg:$0x2];
	_ =	strace $0x80000047;
	s4 =	srdreg.scid  }
0x4: {  	s6 =	simm.s32 $0x2;
	s11 =	simm.s32 $0x0;
	p0 =	por $0x0, $0x0  }
.Ltmp0:
0x5: {  	s7 =	simm.s32 $0x2000;
	s12 =	simm.s32 $0x0;
	(pc) =	sbr.rel .LBB1_1-.Ltmp0, $4  }
0x6: {  	s9 =	simm.s32 $0x0;
	s3 =	sadd.s32 $0x800, s1;
	s5 =	sshll.u32 s4, $0x4  }
0x7: {  	s1 =	stileid.u32;
	s4 =	simm.s32 $0x1;
	s5 =	sand.u32 $0x10, s5  }
0x8: {  	s8 =	simm.s32 $0x0;
	[sflag:s4] =	ssyncpa.u1 $0x0;
	s5 =	sor.u32 s1, s5  }
0x9: {  	[sflag:s6] =	ssyncpa.u1 $0x0;
	s6 =	simm.s32 $0x800;
	s10 =	smov.u32 s5  }
.LBB1_7:
0xa: {  	s13 =	sadd.s32 $0x10, s9  }
0xb: {  	s11 =	sadd.s32 $0x20, s10;
	s15 =	smov.u32 s10;
	p2 =	sgt.s32 s13, $0x3F  }
0xc: {  	p1 =	slt.u32 s8, $0x2;
	s15 =	smov.u32 @p2 s11  }
0xd: {  	s8 =	sadd.s32 $0x1, s8;
	s13 =	simm.s32 @p2 $0x0;
	p2 =	sgt.s32 s15, $0x1FF  }
0xe: {  	s15 =	smov.u32 @p2 s5;
	p2 =	sne.s32 s8, $0x42  }
.Ltmp1:
0xf: {  	_ = 	snop;
	(pc) =	sbr.rel @!p2 .LBB1_8-.Ltmp1, $4  }
0x10: {  	s14 =	simm.s32 @!p1 $0x2  }
0x11: {  	s12 =	smov.u32 s10;
	_ =	swait.ge @!p1 [sflag:s14], $0x4000  }
0x12: {  	p0 =	por !p0, !p0;
	s11 =	smov.u32 s9;
	[sflag:s14] =	ssyncset.done @!p1 $0x0  }
0x13: {  	s9 =	smov.u32 s13;
	[sflag:s14] =	ssyncadd.s32 @!p1 $0xFFFFC000;
	s10 =	smov.u32 s15  }
.LBB1_1:
0x14: {  	p1 =	sgt.u32 s8, $0x3F  }
0x15: {  	s13 =	sxor.u32 @!p1 $0xFFFFFFFF, s8;
	s14 =	sshll.u32 @!p1 s10, $0xD  }
0x16: {  	s15 =	sshll.u32 @!p1 s9, $0x7;
	s13 =	sshll.u32 @!p1 s13, $0xE;
	s14 =	sadd.s32 @!p1 s2, s14  }
0x17: {  	s13 =	sand.u32 @!p1 $0x4000, s13;
	s14 =	sadd.s32 @!p1 s15, s14;
	s15 =	simm.s32 @!p1 $0x0  }
0x18: {  	[tilespmem:s13], [sflag:$0x1] =	stream.linear.gather @!p1 [hbm4b:s14+s15], $0x4000, $0x38;
	[tilespmem:$0x10000] =	vst v63  }
0x19: {  	p1 =	seq.s32 s8, $0x0  }
0x1a: {  	p2 =	seq.s32 @!p1 s8, $0x41  }
0x1b: {  	p1 =	por p1, p2  }
.Ltmp2:
0x1c: {  	_ = 	snop;
	(pc) =	sbr.rel @p1 .LBB1_7-.Ltmp2, $1  }
0x1d: {  	_ =	sdelay $0x3  }
0x1e: {  	s13 =	simm.s32 $0x1;
	_ =	swait.ge [sflag:s4], $0x4000;
	s16 =	sshll.u32 s8, $0xE  }
0x1f: {  	s13 =	simm.s32 @!p0 $0x0;
	[sflag:s4] =	ssyncset.done $0x0;
	s31 =	sand.u32 $0x4000, s16  }
0x20: {  	s16 =	simm.s32 $0x0;
	s14 =	sshll.u32 s13, $0xE;
	[sflag:s4] =	ssyncadd.s32 $0xFFFFC000  }
0x21: {  	s13 =	sor.u32 $0x8040, s14;
	s15 =	sor.u32 $0x40, s14;
	s14 =	sor.u32 $0x8000, s31  }
.LBB1_3:
0x22: {  	v0 =	vmov s15;
	_ =	sdelay $0x3  }
0x23: {  	s18 =	simm.s32 $0x0  }
0x24: {  	v6 =	vld.idx.msk [tilespmem:v0+s18+$0x30 ss:$0x1], $0xffff  }
0x25: {  	v7 =	vld.idx.msk [tilespmem:v0+s18+$0xFFFFFFC0 ss:$0x1], $0xffff  }
0x26: {  	v5 =	vld.idx.msk [tilespmem:v0+s18+$0xFFFFFFD0 ss:$0x1], $0xffff  }
0x27: {  	v4 =	vld.idx.msk [tilespmem:v0+s18+$0xFFFFFFE0 ss:$0x1], $0xffff  }
0x28: {  	v3 =	vld.idx.msk [tilespmem:v0+s18+$0xFFFFFFF0 ss:$0x1], $0xffff  }
0x29: {  	v1 =	vld.idx.msk [tilespmem:v0+s18+$0x0 ss:$0x1], $0xffff  }
0x2a: {  	v2 =	vld.idx.msk [tilespmem:v0+s18+$0x10 ss:$0x1], $0xffff;
	[tilespmem:s13+$0x30] =	vst v6  }
0x2b: {  	s17 =	simm.s32 $0x80;
	s19 =	simm.s32 $0x400;
	[tilespmem:s13+$0xFFFFFFC0] =	vst v7;
	v6 =	vld.idx.msk [tilespmem:v0+s18+$0x20 ss:$0x1], $0xffff;
	s18 =	smov.u32 s13  }
.LBB1_4:
0x2c: {  	p1 =	sne.s32 s19, $0xE00;
	v7 =	vld.idx.msk [tilespmem:v0+s17+$0x30 ss:$0x1], $0xffff;
	[tilespmem:s18+$0xFFFFFFD0] =	vst v5  }
0x2d: {  	v8 =	vld.idx.msk [tilespmem:v0+s17+$0xFFFFFFC0 ss:$0x1], $0xffff;
	[tilespmem:s18+$0xFFFFFFE0] =	vst v4  }
0x2e: {  	v5 =	vld.idx.msk [tilespmem:v0+s17+$0xFFFFFFD0 ss:$0x1], $0xffff;
	[tilespmem:s18+$0xFFFFFFF0] =	vst v3  }
.Ltmp3:
0x2f: {  	v4 =	vld.idx.msk [tilespmem:v0+s17+$0xFFFFFFE0 ss:$0x1], $0xffff;
	[tilespmem:s18+$0x0] =	vst v1;
	(pc) =	sbr.rel @p1 .LBB1_4-.Ltmp3, $4  }
0x30: {  	v3 =	vld.idx.msk [tilespmem:v0+s17+$0xFFFFFFF0 ss:$0x1], $0xffff;
	[tilespmem:s18+$0x10] =	vst v2  }
0x31: {  	v1 =	vld.idx.msk [tilespmem:v0+s17+$0x0 ss:$0x1], $0xffff;
	[tilespmem:s18+$0x20] =	vst v6;
	s18 =	sadd.s32 $0x800, s18  }
0x32: {  	v2 =	vld.idx.msk [tilespmem:v0+s17+$0x10 ss:$0x1], $0xffff;
	[tilespmem:s18+$0x30] =	vst v7  }
0x33: {  	[tilespmem:s18+$0xFFFFFFC0] =	vst v8;
	v6 =	vld.idx.msk [tilespmem:v0+s17+$0x20 ss:$0x1], $0xffff;
	s17 =	sshra.s32 s19, $0x2;
	s19 =	sadd.s32 $0x200, s19  }
0x34: {  	_ =	sdelay $0x2  }
0x35: {  	[tilespmem:s18+$0xFFFFFFD0] =	vst v5  }
0x36: {  	v56 =	vld.idx.msk [tilespmem:v0+s17+$0x30 ss:$0x1], $0xffff;
	[tilespmem:s18+$0xFFFFFFE0] =	vst v4  }
0x37: {  	v57 =	vld.idx.msk [tilespmem:v0+s17+$0xFFFFFFC0 ss:$0x1], $0xffff;
	[tilespmem:s18+$0xFFFFFFF0] =	vst v3  }
0x38: {  	v58 =	vld.idx.msk [tilespmem:v0+s17+$0xFFFFFFD0 ss:$0x1], $0xffff;
	[tilespmem:s18+$0x0] =	vst v1  }
0x39: {  	v59 =	vld.idx.msk [tilespmem:v0+s17+$0xFFFFFFE0 ss:$0x1], $0xffff;
	[tilespmem:s18+$0x10] =	vst v2  }
0x3a: {  	v60 =	vld.idx.msk [tilespmem:v0+s17+$0xFFFFFFF0 ss:$0x1], $0xffff;
	s31 =	sadd.s32 $0x800, s18;
	[tilespmem:s18+$0x20] =	vst v6  }
0x3b: {  	v61 =	vld.idx.msk [tilespmem:v0+s17+$0x0 ss:$0x1], $0xffff;
	[tilespmem:s31+$0x30] =	vst v56  }
0x3c: {  	v62 =	vld.idx.msk [tilespmem:v0+s17+$0x10 ss:$0x1], $0xffff;
	s16 =	sadd.s32 $0x1, s16;
	[tilespmem:s31+$0xFFFFFFC0] =	vst v57  }
0x3d: {  	v63 =	vld.idx.msk [tilespmem:v0+s17+$0x20 ss:$0x1], $0xffff;
	p1 =	sne.s32 s16, $0x10;
	[tilespmem:s31+$0xFFFFFFD0] =	vst v58  }
.Ltmp4:
0x3e: {  	[tilespmem:s31+$0xFFFFFFE0] =	vst v59;
	(pc) =	sbr.rel @p1 .LBB1_3-.Ltmp4, $4  }
0x3f: {  	[tilespmem:s31+$0xFFFFFFF0] =	vst v60  }
0x40: {  	[tilespmem:s31+$0x0] =	vst v61  }
0x41: {  	[tilespmem:s31+$0x10] =	vst v62  }
0x42: {  	s13 =	sadd.s32 $0x80, s13;
	s15 =	sadd.s32 $0x400, s15;
	[tilespmem:s31+$0x20] =	vst v63  }
.Ltmp5:
0x43: {  	(pc) =	sbr.rel .LBB1_7-.Ltmp5, $4  }
0x44: {  	s12 =	sshll.u32 s12, $0xD;
	s11 =	sshll.u32 s11, $0x4  }
0x45: {  	s11 =	sand.u32 $0x3F0, s11;
	s12 =	sadd.s32 s3, s12  }
0x46: {  	s11 =	sadd.s32 s11, s12  }
0x47: {  	[hbm4b:s11+s6] =	stream.strided.scatter [tilespmem:s14], [sflag:$0x2], $0x4000, s7, s6, $0x38;
	[tilespmem:$0x10000] =	vst v63  }
.LBB1_8:
0x48: {  	_ =	sfence.sel $0x180000  }
0x49: {  	s2 =	simm.s32 $0x1;
	[bflag:$0x0] =	sbarrier.arrive $0xFFFF  }
0x4a: {  	s31 =	simm.s32 $0x2;
	[sflag:s2] =	ssyncpa.u1 $0x1  }
0x4b: {  	[sflag:s31] =	ssyncpa.u1 $0x1  }
0x4c: {  	p0 =	sne.s32 s1, $0x0;
	_ =	strace $0x90000047  }
0x4d: {  	s0 =	sadd.s32 @!p0 $0x100000, s0;
	[bflag:$0x2] =	sbarrier.arrive $0xFFFF  }
0x4e: {  	[sflag:s0] =	ssyncadd.tile.s32 @!p0 $0x1;
	_ =	shalt  }
.Lfunc_end1:
_tile_overlayer_lowered:
.L_overlay_start_2:
0x4f: {  	(tag) =	ssettag $0x2  }
0x50: {  	s0 =	rddreg [dreg:$0x0];
	s2 =	stileid.u32  }
0x51: {  	s1 =	rddreg [dreg:$0x1];
	p0 =	sne.s32 s2, $0x0  }
0x52: {  	s3 =	rddreg [dreg:$0x2];
	[bflag:$0x3] =	sbarrier.arrive $0xFFFF;
	s2 =	simm.s32 @!p0 $0x1C01  }
0x53: {  	[timem:s3], [sflag:s2] =	dma.local @!p0 [hbm:s0], s1  }
0x54: {  	s0 =	simm.s32 @!p0 $0x1  }
0x55: {  	_ =	swait.ge @!p0 [sflag:s0], s1  }
0x56: {  	s1 =	ssub.s32 @!p0 $0x0, s1;
	[sflag:s0] =	ssyncset.done @!p0 $0x0  }
0x57: {  	[sflag:s0] =	ssyncadd.s32 @!p0 s1  }
0x58: {  	[bflag:$0x3] =	sbarrier.arrive $0xFFFF  }
0x59: {  	_ =	shalt  }

// kernel: sparse-core-data-format-call.cloned.1.call-start
scs
called_computation_lowered:
.L_overlay_start_0:
0x0: {  	s2 =	sld [smem:$0x3FD9]  }
0x1: {  	s3 =	sld [smem:$0x3FFE];
	_ =	sdelay $0x1  }
0x2: {  	s1 =	srdreg.scid  }
0x3: {  	s0 =	sand.u32 $0x1, s1  }
0x4: {  	s18 =	sshll.u32 s0, $0xA;
	s2 =	sadd.s32 s3, s2  }
0x5: {  	s2 =	sadd.s32 s2, s18  }
0x6: {  	[smem:$0x3FC6] =	sst s2  }
0x7: {  	_ = 	snop  }
0x8: {  	s19 =	sld [smem:$0x3FC8];
	(tm) =	ssettm $0x1  }
0x9: {  	s20 =	sld [smem:$0x3FFB];
	_ =	sdelay $0x3  }
0xa: {  	_ =	strace s20  }
0xb: {  	s2 =	sld [smem:$0x3FFC];
	_ =	sdelay $0x3  }
0xc: {  	_ =	strace s2  }
0xd: {  	s2 =	sld [smem:$0x3FFD];
	_ =	sdelay $0x3  }
0xe: {  	_ =	strace s2  }
0xf: {  	_ =	strace $0x8FFFFFFF  }
0x10: {  	s21 =	sld [smem:$0x3FDB];
	_ =	sdelay $0x1  }
0x11: {  	s4 =	simm.s32 $_scs_section_size  }
0x12: {  	s5 =	simm.s32 $_size__tile_overlayer_lowered;
	s6 =	simm.s32 $_tile_overlayer_lowered  }
0x13: {  	s7 =	simm.s32 $0x1BFF;
	s22 =	sshll.u32 s6, $0x1;
	s4 =	sadd.s32 s4, s21  }
0x14: {  	s23 =	simm.s32 $0x0;
	s5 =	sshll.u32 s5, $0x1;
	s6 =	sadd.s32 s22, s4  }
0x15: {  	[timem:s23], [sflag:s7] =	dma.local [hbm:s6], s5  }
0x16: {  	_ =	swait.ge [sflag:s7], s5  }
0x17: {  	s5 =	ssub.s32 $0x0, s5;
	[sflag:s7] =	ssyncset.done $0x0  }
0x18: {  	[sflag:s7] =	ssyncadd.s32 s5;
	_ =	sdelay $0x1  }
0x19: {  	s24 =	simm.s32 $0x1B8B  }
0x1a: {  	_ =	swait.ge [sflag:s24], $0x1  }
0x1b: {  	[sflag:s24] =	ssyncset.done $0x0  }
0x1c: {  	[sflag:s24] =	ssyncadd.s32 $0xFFFFFFFF  }
0x1d: {  	s5 =	sld [smem:$0x0]  }
0x1e: {  	s6 =	sand.u32 $0xFFFFFFFE, s1  }
0x1f: {  	p0 =	sne.s32 s1, s6  }
0x20: {  	s6 =	sshll.u32 @p0 s6, $0xE  }
0x21: {  	s6 =	sadd.s32 @p0 $0x11B8D, s6;
	s7 =	sshll.u32 @p0 s5, $0x11  }
0x22: {  	s6 =	sor.u32 @p0 s7, s6  }
0x23: {  	[sflag:s6] =	ssyncadd.remote.s32 @p0 $0x1;
	_ =	sdelay $0x1  }
0x24: {  	s6 =	simm.s32 @p0 $0x1B8D  }
0x25: {  	_ =	swait.eq @p0 [sflag:s6], $0x1  }
0x26: {  	[sflag:s6] =	ssyncadd.s32 @p0 $0xFFFFFFFF  }
0x27: {  	s7 =	sshll.u32 @!p0 s1, $0xE  }
0x28: {  	s7 =	sor.u32 @!p0 $0x4000, s7;
	s6 =	simm.s32 @!p0 $0x1B8D  }
0x29: {  	s5 =	sshll.u32 @!p0 s5, $0x11;
	s7 =	sadd.s32 @!p0 $0x11B8D, s7;
	_ =	swait.eq @!p0 [sflag:s6], $0x1  }
0x2a: {  	s5 =	sor.u32 @!p0 s5, s7;
	[sflag:s6] =	ssyncadd.s32 @!p0 $0xFFFFFFFF  }
0x2b: {  	s26 =	simm.s32 $0x1B8E;
	s25 =	sld [smem:$0x3FFE];
	[sflag:s5] =	ssyncadd.remote.s32 @!p0 $0x1  }
0x2c: {  	s27 =	simm.s32 $execute0_lowered;
	[smem:$0x3FD2] =	sst s26  }
0x2d: {  	s6 =	sshll.u32 s27, $0x1;
	_ =	strace $0x80000049;
	[dreg:$0x1] =	wrdreg $0xFFFFFFFF  }
0x2e: {  	s28 =	simm.s32 $_size_execute0_lowered;
	s4 =	sadd.s32 s4, s6;
	[dreg:$0x0] =	wrdreg $0x0  }
0x2f: {  	s6 =	sshll.u32 s28, $0x1;
	[dreg:$0x2] =	wrdreg s4  }
0x30: {  	[dreg:$0x3] =	wrdreg s6  }
0x31: {  	[dreg:$0x4] =	wrdreg $0xC0  }
0x32: {  	_ =	task [dreg:s23], $0x5FFFF  }
0x33: {  	[dreg:$0x1] =	wrdreg $0xFFFFFFFF  }
0x34: {  	[dreg:$0x0] =	wrdreg $0x60  }
0x35: {  	[dreg:$0x2] =	wrdreg s19  }
0x36: {  	[dreg:$0x3] =	wrdreg s25  }
0x37: {  	[dreg:$0x4] =	wrdreg $0x9  }
0x38: {  	_ =	task.clear_ibuf [dreg:s23], $0x5FFFF;
	_ =	strace $0x90000049  }
0x39: {  	s29 =	simm.s32 $0x9;
	_ =	strace $0x8000004B  }
0x3a: {  	_ =	swait.ge [sflag:s29], $0x1  }
0x3b: {  	[sflag:s29] =	ssyncadd.s32 $0xFFFFFFFF  }
0x3c: {  	_ =	strace $0x9000004B  }
0x3d: {  	_ =	sfence  }
0x3e: {  	s30 =	sld [smem:$0x0];
	_ =	sdelay $0x2  }
0x3f: {  	s31 =	sshll.u32 s1, $0xD;
	s1 =	sshrl.u32 s1, $0x2  }
0x40: {  	s4 =	sand.u32 $0x4000, s31;
	s1 =	sadd.s32 s1, s30  }
0x41: {  	s0 =	sor.u32 s4, s0;
	s1 =	sshll.u32 s1, $0x11  }
0x42: {  	s0 =	sor.u32 s1, s0  }
0x43: {  	s0 =	sadd.s32 $0x8F2B, s0  }
0x44: {  	[sflag:s0] =	ssyncadd.remote.s32 $0x1  }
0x45: {  	_ =	sfence.sel $0xFFFF  }
0x46: {  	[dreg:$0x0] =	wrdreg $0xFFFFFFFF;
	(pc) =	sbr.abs _section_cstart, $3  }
0x47: {  	[dreg:$0x1] =	wrdreg $0xFFFFFFFF  }
0x48: {  	_ =	task.clear_ibuf [dreg:s23], $0x2FFFF;
	_ =	strace $0x9FFFFFFF  }
0x49: {  	(tm) =	ssettm $0x7FFFFFFF  }
tec
execute0_lowered:
.L_overlay_start_1:
0x0: {  	(tag) =	ssettag $0x1  }
0x1: {  	s2 =	rddreg [dreg:$0x0]  }
0x2: {  	s1 =	rddreg [dreg:$0x1]  }
0x3: {  	s0 =	rddreg [dreg:$0x2];
	_ =	strace $0x8000004A;
	s4 =	srdreg.scid  }
0x4: {  	s6 =	simm.s32 $0x2;
	s11 =	simm.s32 $0x0;
	p0 =	por $0x0, $0x0  }
.Ltmp0:
0x5: {  	s7 =	simm.s32 $0x2000;
	s12 =	simm.s32 $0x0;
	(pc) =	sbr.rel .LBB1_1-.Ltmp0, $4  }
0x6: {  	s9 =	simm.s32 $0x0;
	s3 =	sadd.s32 $0x400800, s1;
	s5 =	sshll.u32 s4, $0x4  }
0x7: {  	s1 =	stileid.u32;
	s4 =	simm.s32 $0x1;
	s5 =	sand.u32 $0x10, s5  }
0x8: {  	s8 =	simm.s32 $0x0;
	[sflag:s4] =	ssyncpa.u1 $0x0;
	s5 =	sor.u32 s1, s5  }
0x9: {  	[sflag:s6] =	ssyncpa.u1 $0x0;
	s6 =	simm.s32 $0x800;
	s10 =	smov.u32 s5  }
.LBB1_7:
0xa: {  	s13 =	sadd.s32 $0x10, s9  }
0xb: {  	s11 =	sadd.s32 $0x20, s10;
	s15 =	smov.u32 s10;
	p2 =	sgt.s32 s13, $0x3F  }
0xc: {  	p1 =	slt.u32 s8, $0x2;
	s15 =	smov.u32 @p2 s11  }
0xd: {  	s8 =	sadd.s32 $0x1, s8;
	s13 =	simm.s32 @p2 $0x0;
	p2 =	sgt.s32 s15, $0x1FF  }
0xe: {  	s15 =	smov.u32 @p2 s5;
	p2 =	sne.s32 s8, $0x42  }
.Ltmp1:
0xf: {  	_ = 	snop;
	(pc) =	sbr.rel @!p2 .LBB1_8-.Ltmp1, $4  }
0x10: {  	s14 =	simm.s32 @!p1 $0x2  }
0x11: {  	s12 =	smov.u32 s10;
	_ =	swait.ge @!p1 [sflag:s14], $0x4000  }
0x12: {  	p0 =	por !p0, !p0;
	s11 =	smov.u32 s9;
	[sflag:s14] =	ssyncset.done @!p1 $0x0  }
0x13: {  	s9 =	smov.u32 s13;
	[sflag:s14] =	ssyncadd.s32 @!p1 $0xFFFFC000;
	s10 =	smov.u32 s15  }
.LBB1_1:
0x14: {  	p1 =	sgt.u32 s8, $0x3F  }
0x15: {  	s13 =	sxor.u32 @!p1 $0xFFFFFFFF, s8;
	s14 =	sshll.u32 @!p1 s10, $0xD  }
0x16: {  	s15 =	sshll.u32 @!p1 s9, $0x7;
	s13 =	sshll.u32 @!p1 s13, $0xE;
	s14 =	sadd.s32 @!p1 s2, s14  }
0x17: {  	s13 =	sand.u32 @!p1 $0x4000, s13;
	s14 =	sadd.s32 @!p1 s15, s14;
	s15 =	simm.s32 @!p1 $0x0  }
0x18: {  	[tilespmem:s13], [sflag:$0x1] =	stream.linear.gather @!p1 [hbm4b:s14+s15], $0x4000, $0x38;
	[tilespmem:$0x10000] =	vst v63  }
0x19: {  	p1 =	seq.s32 s8, $0x0  }
0x1a: {  	p2 =	seq.s32 @!p1 s8, $0x41  }
0x1b: {  	p1 =	por p1, p2  }
.Ltmp2:
0x1c: {  	_ = 	snop;
	(pc) =	sbr.rel @p1 .LBB1_7-.Ltmp2, $1  }
0x1d: {  	_ =	sdelay $0x3  }
0x1e: {  	s13 =	simm.s32 $0x1;
	_ =	swait.ge [sflag:s4], $0x4000;
	s16 =	sshll.u32 s8, $0xE  }
0x1f: {  	s13 =	simm.s32 @!p0 $0x0;
	[sflag:s4] =	ssyncset.done $0x0;
	s31 =	sand.u32 $0x4000, s16  }
0x20: {  	s16 =	simm.s32 $0x0;
	s14 =	sshll.u32 s13, $0xE;
	[sflag:s4] =	ssyncadd.s32 $0xFFFFC000  }
0x21: {  	s13 =	sor.u32 $0x8040, s14;
	s15 =	sor.u32 $0x40, s14;
	s14 =	sor.u32 $0x8000, s31  }
.LBB1_3:
0x22: {  	v0 =	vmov s15;
	_ =	sdelay $0x3  }
0x23: {  	s18 =	simm.s32 $0x0  }
0x24: {  	v6 =	vld.idx.msk [tilespmem:v0+s18+$0x30 ss:$0x1], $0xffff  }
0x25: {  	v7 =	vld.idx.msk [tilespmem:v0+s18+$0xFFFFFFC0 ss:$0x1], $0xffff  }
0x26: {  	v5 =	vld.idx.msk [tilespmem:v0+s18+$0xFFFFFFD0 ss:$0x1], $0xffff  }
0x27: {  	v4 =	vld.idx.msk [tilespmem:v0+s18+$0xFFFFFFE0 ss:$0x1], $0xffff  }
0x28: {  	v3 =	vld.idx.msk [tilespmem:v0+s18+$0xFFFFFFF0 ss:$0x1], $0xffff  }
0x29: {  	v1 =	vld.idx.msk [tilespmem:v0+s18+$0x0 ss:$0x1], $0xffff  }
0x2a: {  	v2 =	vld.idx.msk [tilespmem:v0+s18+$0x10 ss:$0x1], $0xffff;
	[tilespmem:s13+$0x30] =	vst v6  }
0x2b: {  	s17 =	simm.s32 $0x80;
	s19 =	simm.s32 $0x400;
	[tilespmem:s13+$0xFFFFFFC0] =	vst v7;
	v6 =	vld.idx.msk [tilespmem:v0+s18+$0x20 ss:$0x1], $0xffff;
	s18 =	smov.u32 s13  }
.LBB1_4:
0x2c: {  	p1 =	sne.s32 s19, $0xE00;
	v7 =	vld.idx.msk [tilespmem:v0+s17+$0x30 ss:$0x1], $0xffff;
	[tilespmem:s18+$0xFFFFFFD0] =	vst v5  }
0x2d: {  	v8 =	vld.idx.msk [tilespmem:v0+s17+$0xFFFFFFC0 ss:$0x1], $0xffff;
	[tilespmem:s18+$0xFFFFFFE0] =	vst v4  }
0x2e: {  	v5 =	vld.idx.msk [tilespmem:v0+s17+$0xFFFFFFD0 ss:$0x1], $0xffff;
	[tilespmem:s18+$0xFFFFFFF0] =	vst v3  }
.Ltmp3:
0x2f: {  	v4 =	vld.idx.msk [tilespmem:v0+s17+$0xFFFFFFE0 ss:$0x1], $0xffff;
	[tilespmem:s18+$0x0] =	vst v1;
	(pc) =	sbr.rel @p1 .LBB1_4-.Ltmp3, $4  }
0x30: {  	v3 =	vld.idx.msk [tilespmem:v0+s17+$0xFFFFFFF0 ss:$0x1], $0xffff;
	[tilespmem:s18+$0x10] =	vst v2  }
0x31: {  	v1 =	vld.idx.msk [tilespmem:v0+s17+$0x0 ss:$0x1], $0xffff;
	[tilespmem:s18+$0x20] =	vst v6;
	s18 =	sadd.s32 $0x800, s18  }
0x32: {  	v2 =	vld.idx.msk [tilespmem:v0+s17+$0x10 ss:$0x1], $0xffff;
	[tilespmem:s18+$0x30] =	vst v7  }
0x33: {  	[tilespmem:s18+$0xFFFFFFC0] =	vst v8;
	v6 =	vld.idx.msk [tilespmem:v0+s17+$0x20 ss:$0x1], $0xffff;
	s17 =	sshra.s32 s19, $0x2;
	s19 =	sadd.s32 $0x200, s19  }
0x34: {  	_ =	sdelay $0x2  }
0x35: {  	[tilespmem:s18+$0xFFFFFFD0] =	vst v5  }
0x36: {  	v56 =	vld.idx.msk [tilespmem:v0+s17+$0x30 ss:$0x1], $0xffff;
	[tilespmem:s18+$0xFFFFFFE0] =	vst v4  }
0x37: {  	v57 =	vld.idx.msk [tilespmem:v0+s17+$0xFFFFFFC0 ss:$0x1], $0xffff;
	[tilespmem:s18+$0xFFFFFFF0] =	vst v3  }
0x38: {  	v58 =	vld.idx.msk [tilespmem:v0+s17+$0xFFFFFFD0 ss:$0x1], $0xffff;
	[tilespmem:s18+$0x0] =	vst v1  }
0x39: {  	v59 =	vld.idx.msk [tilespmem:v0+s17+$0xFFFFFFE0 ss:$0x1], $0xffff;
	[tilespmem:s18+$0x10] =	vst v2  }
0x3a: {  	v60 =	vld.idx.msk [tilespmem:v0+s17+$0xFFFFFFF0 ss:$0x1], $0xffff;
	s31 =	sadd.s32 $0x800, s18;
	[tilespmem:s18+$0x20] =	vst v6  }
0x3b: {  	v61 =	vld.idx.msk [tilespmem:v0+s17+$0x0 ss:$0x1], $0xffff;
	[tilespmem:s31+$0x30] =	vst v56  }
0x3c: {  	v62 =	vld.idx.msk [tilespmem:v0+s17+$0x10 ss:$0x1], $0xffff;
	s16 =	sadd.s32 $0x1, s16;
	[tilespmem:s31+$0xFFFFFFC0] =	vst v57  }
0x3d: {  	v63 =	vld.idx.msk [tilespmem:v0+s17+$0x20 ss:$0x1], $0xffff;
	p1 =	sne.s32 s16, $0x10;
	[tilespmem:s31+$0xFFFFFFD0] =	vst v58  }
.Ltmp4:
0x3e: {  	[tilespmem:s31+$0xFFFFFFE0] =	vst v59;
	(pc) =	sbr.rel @p1 .LBB1_3-.Ltmp4, $4  }
0x3f: {  	[tilespmem:s31+$0xFFFFFFF0] =	vst v60  }
0x40: {  	[tilespmem:s31+$0x0] =	vst v61  }
0x41: {  	[tilespmem:s31+$0x10] =	vst v62  }
0x42: {  	s13 =	sadd.s32 $0x80, s13;
	s15 =	sadd.s32 $0x400, s15;
	[tilespmem:s31+$0x20] =	vst v63  }
.Ltmp5:
0x43: {  	(pc) =	sbr.rel .LBB1_7-.Ltmp5, $4  }
0x44: {  	s12 =	sshll.u32 s12, $0xD;
	s11 =	sshll.u32 s11, $0x4  }
0x45: {  	s11 =	sand.u32 $0x3F0, s11;
	s12 =	sadd.s32 s3, s12  }
0x46: {  	s11 =	sadd.s32 s11, s12  }
0x47: {  	[hbm4b:s11+s6] =	stream.strided.scatter [tilespmem:s14], [sflag:$0x2], $0x4000, s7, s6, $0x38;
	[tilespmem:$0x10000] =	vst v63  }
.LBB1_8:
0x48: {  	_ =	sfence.sel $0x180000  }
0x49: {  	s2 =	simm.s32 $0x1;
	[bflag:$0x0] =	sbarrier.arrive $0xFFFF  }
0x4a: {  	s31 =	simm.s32 $0x2;
	[sflag:s2] =	ssyncpa.u1 $0x1  }
0x4b: {  	[sflag:s31] =	ssyncpa.u1 $0x1  }
0x4c: {  	p0 =	sne.s32 s1, $0x0;
	_ =	strace $0x9000004A  }
0x4d: {  	s0 =	sadd.s32 @!p0 $0x100000, s0;
	[bflag:$0x2] =	sbarrier.arrive $0xFFFF  }
0x4e: {  	[sflag:s0] =	ssyncadd.tile.s32 @!p0 $0x1;
	_ =	shalt  }
.Lfunc_end1:
_tile_overlayer_lowered:
.L_overlay_start_2:
0x4f: {  	(tag) =	ssettag $0x2  }
0x50: {  	s0 =	rddreg [dreg:$0x0];
	s2 =	stileid.u32  }
0x51: {  	s1 =	rddreg [dreg:$0x1];
	p0 =	sne.s32 s2, $0x0  }
0x52: {  	s3 =	rddreg [dreg:$0x2];
	[bflag:$0x3] =	sbarrier.arrive $0xFFFF;
	s2 =	simm.s32 @!p0 $0x1C01  }
0x53: {  	[timem:s3], [sflag:s2] =	dma.local @!p0 [hbm:s0], s1  }
0x54: {  	s0 =	simm.s32 @!p0 $0x1  }
0x55: {  	_ =	swait.ge @!p0 [sflag:s0], s1  }
0x56: {  	s1 =	ssub.s32 @!p0 $0x0, s1;
	[sflag:s0] =	ssyncset.done @!p0 $0x0  }
0x57: {  	[sflag:s0] =	ssyncadd.s32 @!p0 s1  }
0x58: {  	[bflag:$0x3] =	sbarrier.arrive $0xFFFF  }
0x59: {  	_ =	shalt  }

</sc_bundles>
